<compile_context>
chip_gen: v7x
topology: tpu7x:2x2x1
jax: 0.10.2.dev20260603
libtpu: 0.0.44.dev20260713+nightly
codegen_flags: <defaults>
</compile_context>

<pallas_src>
import functools

import jax
import jax.numpy as jnp
from jax import lax
from jax.experimental import pallas as pl
from jax.experimental.pallas import tpu as pltpu
from jax.experimental.pallas import tpu_sc as plsc

B = 16384
D = 512
NC = 2
NS = 16
NW = NC * NS
RPW = B // NW
R = 32
NCHUNK = RPW // R
L = 16
DV = D // L
NG = R // L

_mesh = plsc.VectorSubcoreMesh(core_axis_name="c", subcore_axis_name="s")


@functools.partial(
    pl.kernel,
    out_type=jax.ShapeDtypeStruct((NW, L), jnp.float32),
    mesh=_mesh,
    compiler_params=pltpu.CompilerParams(needs_layout_passes=False),
    scratch_types=[
        pltpu.VMEM((R,), jnp.int32),
        pltpu.VMEM((R,), jnp.int32),
        pltpu.VMEM((R, D), jnp.float32),
        pltpu.VMEM((R, D), jnp.float32),
        pltpu.VMEM((R, D), jnp.float32),
        pltpu.VMEM((R, D), jnp.float32),
        pltpu.VMEM((L * L,), jnp.float32),
        pltpu.VMEM((L,), jnp.float32),
        pltpu.SemaphoreType.DMA,
        pltpu.SemaphoreType.DMA,
        pltpu.SemaphoreType.DMA,
        pltpu.SemaphoreType.DMA,
    ],
)
def _center_loss_sc(x_hbm, labels_hbm, centers_hbm, out_hbm,
                    idx0, idx1, xb0, xb1, cb0, cb1, trans_v, res_v,
                    sem_x0, sem_x1, sem_c0, sem_c1):
    cid = lax.axis_index("c")
    sid = lax.axis_index("s")
    wid = cid * NS + sid
    base = wid * RPW
    iota = lax.iota(jnp.int32, L)

    idxs = (idx0, idx1)
    xbs = (xb0, xb1)
    cbs = (cb0, cb1)
    sxs = (sem_x0, sem_x1)
    scs = (sem_c0, sem_c1)

    def issue(g, b):
        row0 = base + g * R
        pltpu.async_copy(x_hbm.at[pl.ds(row0, R)], xbs[b], sxs[b])
        pltpu.sync_copy(labels_hbm.at[pl.ds(row0, R)], idxs[b])
        pltpu.async_copy(centers_hbm.at[idxs[b]], cbs[b], scs[b])

    def wait(g, b):
        row0 = base + g * R
        pltpu.make_async_copy(x_hbm.at[pl.ds(row0, R)], xbs[b], sxs[b]).wait()
        pltpu.make_async_copy(centers_hbm.at[idxs[b]], cbs[b], scs[b]).wait()

    def compute(b, totv):
        x_buf = xbs[b]
        c_buf = cbs[b]
        def group_body(h, tv):
            def row_body(r16, _):
                r = h * L + r16

                accs = (jnp.zeros((L,), jnp.float32),) * 4

                def col_body(j2, accs):
                    a0, a1, a2, a3 = accs
                    base_j = j2 * (DV // 2)
                    for u in range(DV // 2):
                        j = base_j + u
                        d = x_buf[r, pl.ds(j * L, L)] - c_buf[r, pl.ds(j * L, L)]
                        if u % 4 == 0:
                            a0 = a0 + d * d
                        elif u % 4 == 1:
                            a1 = a1 + d * d
                        elif u % 4 == 2:
                            a2 = a2 + d * d
                        else:
                            a3 = a3 + d * d
                    return (a0, a1, a2, a3)

                accs = lax.fori_loop(0, 2, col_body, accs)
                trans_v[pl.ds(r16 * L, L)] = (accs[0] + accs[1]) + (accs[2] + accs[3])
                return 0

            lax.fori_loop(0, L, row_body, 0)

            tsum = plsc.load_gather(trans_v, [iota * L])
            for k in range(1, L):
                tsum = tsum + plsc.load_gather(trans_v, [iota * L + k])
            tclip = jnp.minimum(jnp.maximum(tsum, 1e-12), 1e12)
            return tv + tclip

        return lax.fori_loop(0, NG, group_body, totv)

    issue(0, 0)

    def pair_body(t, totv):
        g0 = t * 2
        for b in range(2):
            gg = g0 + b

            @pl.when(gg + 1 < NCHUNK)
            def _():
                issue(gg + 1, 1 - b)

            wait(gg, b)
            totv = compute(b, totv)
        return totv

    totv = lax.fori_loop(0, NCHUNK // 2, pair_body, jnp.zeros((L,), jnp.float32))

    res_v[...] = totv
    pltpu.sync_copy(res_v, out_hbm.at[wid])


def _reduce_tc_body(p_ref, o_ref):
    o_ref[0, 0] = jnp.sum(p_ref[...]) * jnp.float32(1.0 / B)


_reduce_tc = pl.pallas_call(
    _reduce_tc_body,
    out_shape=jax.ShapeDtypeStruct((1, 1), jnp.float32),
    in_specs=[pl.BlockSpec(memory_space=pltpu.VMEM)],
    out_specs=pl.BlockSpec(memory_space=pltpu.SMEM),
)


def kernel(x, labels, centers):
    partials = _center_loss_sc(x, labels.astype(jnp.int32), centers)
    return _reduce_tc(partials)[0, 0]

# --- scband reference (transcript-rebuilt; emitter-appended) ---
"""Pipeline reference for scband-center-loss-30030411334365 (READ-ONLY COPY).

The authoritative reference and input builder live on the scoring server;
editing this copy changes nothing except your own understanding.
"""

import jax, jax.numpy as jnp
import numpy as np


def setup_inputs(seed: int = 0) -> dict:
    key = jax.random.key(seed)
    k1, k2, k3 = jax.random.split(key, 3)
    x = jax.random.normal(k1, (16384, 512), dtype=jnp.float32)
    labels = jax.random.randint(k2, (16384,), 0, 10000, dtype=jnp.int64)
    centers = jax.random.normal(k3, (10000, 512), dtype=jnp.float32)
    return {"x": x, "labels": labels, "centers": centers}


def reference(x, labels, centers):
    center = jnp.take(centers, labels, axis=0)
    dist = jnp.sum(jnp.square(x - center), axis=-1)
    loss = jnp.mean(jnp.clip(dist, 1e-12, 1000000000000.0), axis=-1)
    return loss

if __name__ == "__main__":
    import jax
    _d = setup_inputs()
    print(jax.jit(kernel)(*tuple(_d.values())))

</pallas_src>

<mosaic_0001>
#map = affine_map<(d0, d1) -> (0, 0)>
#map1 = affine_map<(d0, d1) -> (0)>
module attributes {stable_mosaic.version = 14 : i64} {
  func.func @_center_loss_sc(%arg0: i32, %arg1: i32, %arg2: memref<16384x512xf32, #tpu.memory_space<hbm>>, %arg3: memref<16384xi32, #tpu.memory_space<hbm>>, %arg4: memref<10000x512xf32, #tpu.memory_space<hbm>>, %arg5: memref<32x16xf32, #tpu.memory_space<hbm>>, %arg6: memref<32xi32, #tpu.memory_space<vmem>>, %arg7: memref<32xi32, #tpu.memory_space<vmem>>, %arg8: memref<32x512xf32, #tpu.memory_space<vmem>>, %arg9: memref<32x512xf32, #tpu.memory_space<vmem>>, %arg10: memref<32x512xf32, #tpu.memory_space<vmem>>, %arg11: memref<32x512xf32, #tpu.memory_space<vmem>>, %arg12: memref<256xf32, #tpu.memory_space<vmem>>, %arg13: memref<16xf32, #tpu.memory_space<vmem>>, %arg14: memref<!tpu.dma_semaphore, #tpu.memory_space<semaphore_mem>>, %arg15: memref<!tpu.dma_semaphore, #tpu.memory_space<semaphore_mem>>, %arg16: memref<!tpu.dma_semaphore, #tpu.memory_space<semaphore_mem>>, %arg17: memref<!tpu.dma_semaphore, #tpu.memory_space<semaphore_mem>>) attributes {dimension_semantics = [#tpu.dimension_semantics<core_parallel>, #tpu.dimension_semantics<subcore_parallel>], iteration_bounds = array<i64: 2, 16>, scalar_prefetch = 0 : i64, scratch_operands = 12 : i64, tpu.core_type = #tpu.core_type<sc_vector_subcore>, window_params = [{transform_indices = #map}, {transform_indices = #map1}, {transform_indices = #map}, {transform_indices = #map}]} {
    %mul3A = arith.constant 16 : i32
    %mul3A_0 = arith.muli %arg0, %mul3A : i32
    %add3A = arith.addi %mul3A_0, %arg1 : i32
    %mul3A_1 = arith.constant 512 : i32
    %mul3A_2 = arith.muli %add3A, %mul3A_1 : i32
    %iota3A = tpu.iota {dimensions = array<i32: 0>} : vector<16xi32>
    %add3A_3 = arith.constant 0 : i32
    %add3A_4 = arith.addi %mul3A_2, %add3A_3 : i32
    %dma_start3A = arith.constant 0 : i32
    %dma_start3A_5 = tpu.memref_slice %arg2[%add3A_4, %dma_start3A] : memref<16384x512xf32, #tpu.memory_space<hbm>> -> memref<32x512xf32, #tpu.memory_space<hbm>>
    %dma_start3A_6 = arith.constant 0 : i32
    %dma_start3A_7 = tpu.memref_slice %arg2[%add3A_4, %dma_start3A_6] : memref<16384x512xf32, #tpu.memory_space<hbm>> -> memref<32x512xf32, #tpu.memory_space<hbm>>
    tpu.enqueue_dma source(%dma_start3A_7 : memref<32x512xf32, #tpu.memory_space<hbm>>) target(%arg8 : memref<32x512xf32, #tpu.memory_space<vmem>>) target_semaphore(%arg14 : memref<!tpu.dma_semaphore, #tpu.memory_space<semaphore_mem>>)
    "tpu.region"() ({
      %run_scoped3A = tpu.sem_alloc : memref<!tpu.dma_semaphore, #tpu.memory_space<semaphore_mem>>
      %dma_start3A_18 = tpu.memref_slice %arg3[%add3A_4] : memref<16384xi32, #tpu.memory_space<hbm>> -> memref<32xi32, #tpu.memory_space<hbm>>
      %dma_start3A_19 = tpu.memref_slice %arg3[%add3A_4] : memref<16384xi32, #tpu.memory_space<hbm>> -> memref<32xi32, #tpu.memory_space<hbm>>
      tpu.enqueue_dma source(%dma_start3A_19 : memref<32xi32, #tpu.memory_space<hbm>>) target(%arg6 : memref<32xi32, #tpu.memory_space<vmem>>) target_semaphore(%run_scoped3A : memref<!tpu.dma_semaphore, #tpu.memory_space<semaphore_mem>>)
      %dma_wait3A = tpu.memref_slice %arg3[%add3A_4] : memref<16384xi32, #tpu.memory_space<hbm>> -> memref<32xi32, #tpu.memory_space<hbm>>
      %dma_wait3A_20 = tpu.memref_slice %arg3[%add3A_4] : memref<16384xi32, #tpu.memory_space<hbm>> -> memref<32xi32, #tpu.memory_space<hbm>>
      tpu.wait_dma2 semaphore(%run_scoped3A : memref<!tpu.dma_semaphore, #tpu.memory_space<semaphore_mem>>) src(%dma_wait3A_20 : memref<32xi32, #tpu.memory_space<hbm>>) dst(%arg6 : memref<32xi32, #tpu.memory_space<vmem>>)
      tpu.yield
    }) : () -> ()
    %dma_start3A_8 = arith.constant 0 : i32
    %dma_start3A_9 = arith.constant 0 : i32
    %dma_start3A_10 = tpu.memref_slice %arg4[%dma_start3A_8, %dma_start3A_9] : memref<10000x512xf32, #tpu.memory_space<hbm>> -> memref<10000x512xf32, #tpu.memory_space<hbm>>
    tpu.enqueue_indirect_dma source(%dma_start3A_10 : memref<10000x512xf32, #tpu.memory_space<hbm>>) target(%arg10 : memref<32x512xf32, #tpu.memory_space<vmem>>) offsets(%arg6 : memref<32xi32, #tpu.memory_space<vmem>>) semaphore(%arg16 : memref<!tpu.dma_semaphore, #tpu.memory_space<semaphore_mem>>)
    %broadcast_in_dim3A = arith.constant 0.000000e+00 : f32
    %broadcast_in_dim3A_11 = vector.broadcast %broadcast_in_dim3A : f32 to vector<16xf32>
    %scan3A = arith.constant 0 : i32
    %scan3A_12 = arith.constant 8 : i32
    %scan3A_13 = arith.addi %scan3A, %scan3A_12 : i32
    %scan3A_14 = arith.constant 1 : i32
    %scan3A_15 = scf.for %scan3A_18 = %scan3A to %scan3A_13 step %scan3A_14 iter_args(%scan3A_19 = %broadcast_in_dim3A_11) -> (vector<16xf32>)  : i32 {
      %mul3A_20 = arith.constant 2 : i32
      %mul3A_21 = arith.muli %scan3A_18, %mul3A_20 : i32
      %add3A_22 = arith.constant 0 : i32
      %add3A_23 = arith.addi %mul3A_21, %add3A_22 : i32
      %add3A_24 = arith.constant 1 : i32
      %add3A_25 = arith.addi %add3A_23, %add3A_24 : i32
      %lt3A = arith.constant 16 : i32
      %lt3A_26 = arith.cmpi slt, %add3A_25, %lt3A : i32
      %convert_element_type3A = arith.extui %lt3A_26 : i1 to i32
      %cond3A = arith.constant 0 : i32
      %cond3A_27 = arith.cmpi ne, %convert_element_type3A, %cond3A : i32
      scf.if %cond3A_27 {
        %add3A_68 = arith.constant 1 : i32
        %add3A_69 = arith.addi %add3A_23, %add3A_68 : i32
        %mul3A_70 = arith.constant 32 : i32
        %mul3A_71 = arith.muli %add3A_69, %mul3A_70 : i32
        %add3A_72 = arith.addi %mul3A_2, %mul3A_71 : i32
        %dma_start3A_73 = arith.constant 0 : i32
        %dma_start3A_74 = tpu.memref_slice %arg2[%add3A_72, %dma_start3A_73] : memref<16384x512xf32, #tpu.memory_space<hbm>> -> memref<32x512xf32, #tpu.memory_space<hbm>>
        %dma_start3A_75 = arith.constant 0 : i32
        %dma_start3A_76 = tpu.memref_slice %arg2[%add3A_72, %dma_start3A_75] : memref<16384x512xf32, #tpu.memory_space<hbm>> -> memref<32x512xf32, #tpu.memory_space<hbm>>
        tpu.enqueue_dma source(%dma_start3A_76 : memref<32x512xf32, #tpu.memory_space<hbm>>) target(%arg9 : memref<32x512xf32, #tpu.memory_space<vmem>>) target_semaphore(%arg15 : memref<!tpu.dma_semaphore, #tpu.memory_space<semaphore_mem>>)
        "tpu.region"() ({
          %run_scoped3A = tpu.sem_alloc : memref<!tpu.dma_semaphore, #tpu.memory_space<semaphore_mem>>
          %dma_start3A_80 = tpu.memref_slice %arg3[%add3A_72] : memref<16384xi32, #tpu.memory_space<hbm>> -> memref<32xi32, #tpu.memory_space<hbm>>
          %dma_start3A_81 = tpu.memref_slice %arg3[%add3A_72] : memref<16384xi32, #tpu.memory_space<hbm>> -> memref<32xi32, #tpu.memory_space<hbm>>
          tpu.enqueue_dma source(%dma_start3A_81 : memref<32xi32, #tpu.memory_space<hbm>>) target(%arg7 : memref<32xi32, #tpu.memory_space<vmem>>) target_semaphore(%run_scoped3A : memref<!tpu.dma_semaphore, #tpu.memory_space<semaphore_mem>>)
          %dma_wait3A_82 = tpu.memref_slice %arg3[%add3A_72] : memref<16384xi32, #tpu.memory_space<hbm>> -> memref<32xi32, #tpu.memory_space<hbm>>
          %dma_wait3A_83 = tpu.memref_slice %arg3[%add3A_72] : memref<16384xi32, #tpu.memory_space<hbm>> -> memref<32xi32, #tpu.memory_space<hbm>>
          tpu.wait_dma2 semaphore(%run_scoped3A : memref<!tpu.dma_semaphore, #tpu.memory_space<semaphore_mem>>) src(%dma_wait3A_83 : memref<32xi32, #tpu.memory_space<hbm>>) dst(%arg7 : memref<32xi32, #tpu.memory_space<vmem>>)
          tpu.yield
        }) : () -> ()
        %dma_start3A_77 = arith.constant 0 : i32
        %dma_start3A_78 = arith.constant 0 : i32
        %dma_start3A_79 = tpu.memref_slice %arg4[%dma_start3A_77, %dma_start3A_78] : memref<10000x512xf32, #tpu.memory_space<hbm>> -> memref<10000x512xf32, #tpu.memory_space<hbm>>
        tpu.enqueue_indirect_dma source(%dma_start3A_79 : memref<10000x512xf32, #tpu.memory_space<hbm>>) target(%arg11 : memref<32x512xf32, #tpu.memory_space<vmem>>) offsets(%arg7 : memref<32xi32, #tpu.memory_space<vmem>>) semaphore(%arg17 : memref<!tpu.dma_semaphore, #tpu.memory_space<semaphore_mem>>)
      } else {
      }
      %mul3A_28 = arith.constant 32 : i32
      %mul3A_29 = arith.muli %add3A_23, %mul3A_28 : i32
      %add3A_30 = arith.addi %mul3A_2, %mul3A_29 : i32
      %dma_wait3A = arith.constant 0 : i32
      %dma_wait3A_31 = tpu.memref_slice %arg2[%add3A_30, %dma_wait3A] : memref<16384x512xf32, #tpu.memory_space<hbm>> -> memref<32x512xf32, #tpu.memory_space<hbm>>
      %dma_wait3A_32 = arith.constant 0 : i32
      %dma_wait3A_33 = tpu.memref_slice %arg2[%add3A_30, %dma_wait3A_32] : memref<16384x512xf32, #tpu.memory_space<hbm>> -> memref<32x512xf32, #tpu.memory_space<hbm>>
      tpu.wait_dma2 semaphore(%arg14 : memref<!tpu.dma_semaphore, #tpu.memory_space<semaphore_mem>>) src(%dma_wait3A_33 : memref<32x512xf32, #tpu.memory_space<hbm>>) dst(%arg8 : memref<32x512xf32, #tpu.memory_space<vmem>>)
      %dma_wait3A_34 = arith.constant 0 : i32
      %dma_wait3A_35 = arith.constant 0 : i32
      %dma_wait3A_36 = tpu.memref_slice %arg4[%dma_wait3A_34, %dma_wait3A_35] : memref<10000x512xf32, #tpu.memory_space<hbm>> -> memref<10000x512xf32, #tpu.memory_space<hbm>>
      tpu.wait_indirect_dma semaphore(%arg16 : memref<!tpu.dma_semaphore, #tpu.memory_space<semaphore_mem>>) src(%dma_wait3A_36 : memref<10000x512xf32, #tpu.memory_space<hbm>>) dst(%arg10 : memref<32x512xf32, #tpu.memory_space<vmem>>)
      %scan3A_37 = arith.constant 0 : i32
      %scan3A_38 = arith.constant 2 : i32
      %scan3A_39 = arith.addi %scan3A_37, %scan3A_38 : i32
      %scan3A_40 = arith.constant 1 : i32
      %scan3A_41 = scf.for %scan3A_68 = %scan3A_37 to %scan3A_39 step %scan3A_40 iter_args(%scan3A_69 = %scan3A_19) -> (vector<16xf32>)  : i32 {
        %scan3A_70 = arith.constant 0 : i32
        %scan3A_71 = arith.constant 0 : i32
        %scan3A_72 = arith.constant 16 : i32
        %scan3A_73 = arith.addi %scan3A_71, %scan3A_72 : i32
        %scan3A_74 = arith.constant 1 : i32
        %scan3A_75 = scf.for %scan3A_205 = %scan3A_71 to %scan3A_73 step %scan3A_74 iter_args(%scan3A_206 = %scan3A_70) -> (i32)  : i32 {
          %mul3A_207 = arith.constant 16 : i32
          %mul3A_208 = arith.muli %scan3A_68, %mul3A_207 : i32
          %add3A_209 = arith.addi %mul3A_208, %scan3A_205 : i32
          %broadcast_in_dim3A_210 = arith.constant 0.000000e+00 : f32
          %broadcast_in_dim3A_211 = vector.broadcast %broadcast_in_dim3A_210 : f32 to vector<16xf32>
          %scan3A_212 = arith.constant 0 : i32
          %scan3A_213 = arith.constant 2 : i32
          %scan3A_214 = arith.addi %scan3A_212, %scan3A_213 : i32
          %scan3A_215 = arith.constant 1 : i32
          %scan3A_216:4 = scf.for %scan3A_226 = %scan3A_212 to %scan3A_214 step %scan3A_215 iter_args(%scan3A_227 = %broadcast_in_dim3A_211, %scan3A_228 = %broadcast_in_dim3A_211, %scan3A_229 = %broadcast_in_dim3A_211, %scan3A_230 = %broadcast_in_dim3A_211) -> (vector<16xf32>, vector<16xf32>, vector<16xf32>, vector<16xf32>)  : i32 {
            %mul3A_231 = arith.constant 16 : i32
            %mul3A_232 = arith.muli %scan3A_226, %mul3A_231 : i32
            %add3A_233 = arith.constant 0 : i32
            %add3A_234 = arith.addi %mul3A_232, %add3A_233 : i32
            %mul3A_235 = arith.constant 16 : i32
            %mul3A_236 = arith.muli %add3A_234, %mul3A_235 : i32
            %get3A = arith.index_cast %add3A_209 : i32 to index
            %get3A_237 = arith.index_cast %mul3A_236 : i32 to index
            %get3A_238 = tpu.vector_load %arg8[%get3A, %get3A_237] {strides = array<i32>} : memref<32x512xf32, #tpu.memory_space<vmem>>, vector<16xf32>,
            %mul3A_239 = arith.constant 16 : i32
            %mul3A_240 = arith.muli %add3A_234, %mul3A_239 : i32
            %get3A_241 = arith.index_cast %add3A_209 : i32 to index
            %get3A_242 = arith.index_cast %mul3A_240 : i32 to index
            %get3A_243 = tpu.vector_load %arg10[%get3A_241, %get3A_242] {strides = array<i32>} : memref<32x512xf32, #tpu.memory_space<vmem>>, vector<16xf32>,
            %sub3A = arith.subf %get3A_238, %get3A_243 : vector<16xf32>
            %mul3A_244 = arith.mulf %sub3A, %sub3A : vector<16xf32>
            %add3A_245 = arith.addf %scan3A_227, %mul3A_244 : vector<16xf32>
            %add3A_246 = arith.constant 1 : i32
            %add3A_247 = arith.addi %mul3A_232, %add3A_246 : i32
            %mul3A_248 = arith.constant 16 : i32
            %mul3A_249 = arith.muli %add3A_247, %mul3A_248 : i32
            %get3A_250 = arith.index_cast %add3A_209 : i32 to index
            %get3A_251 = arith.index_cast %mul3A_249 : i32 to index
            %get3A_252 = tpu.vector_load %arg8[%get3A_250, %get3A_251] {strides = array<i32>} : memref<32x512xf32, #tpu.memory_space<vmem>>, vector<16xf32>,
            %mul3A_253 = arith.constant 16 : i32
            %mul3A_254 = arith.muli %add3A_247, %mul3A_253 : i32
            %get3A_255 = arith.index_cast %add3A_209 : i32 to index
            %get3A_256 = arith.index_cast %mul3A_254 : i32 to index
            %get3A_257 = tpu.vector_load %arg10[%get3A_255, %get3A_256] {strides = array<i32>} : memref<32x512xf32, #tpu.memory_space<vmem>>, vector<16xf32>,
            %sub3A_258 = arith.subf %get3A_252, %get3A_257 : vector<16xf32>
            %mul3A_259 = arith.mulf %sub3A_258, %sub3A_258 : vector<16xf32>
            %add3A_260 = arith.addf %scan3A_228, %mul3A_259 : vector<16xf32>
            %add3A_261 = arith.constant 2 : i32
            %add3A_262 = arith.addi %mul3A_232, %add3A_261 : i32
            %mul3A_263 = arith.constant 16 : i32
            %mul3A_264 = arith.muli %add3A_262, %mul3A_263 : i32
            %get3A_265 = arith.index_cast %add3A_209 : i32 to index
            %get3A_266 = arith.index_cast %mul3A_264 : i32 to index
            %get3A_267 = tpu.vector_load %arg8[%get3A_265, %get3A_266] {strides = array<i32>} : memref<32x512xf32, #tpu.memory_space<vmem>>, vector<16xf32>,
            %mul3A_268 = arith.constant 16 : i32
            %mul3A_269 = arith.muli %add3A_262, %mul3A_268 : i32
            %get3A_270 = arith.index_cast %add3A_209 : i32 to index
            %get3A_271 = arith.index_cast %mul3A_269 : i32 to index
            %get3A_272 = tpu.vector_load %arg10[%get3A_270, %get3A_271] {strides = array<i32>} : memref<32x512xf32, #tpu.memory_space<vmem>>, vector<16xf32>,
            %sub3A_273 = arith.subf %get3A_267, %get3A_272 : vector<16xf32>
            %mul3A_274 = arith.mulf %sub3A_273, %sub3A_273 : vector<16xf32>
            %add3A_275 = arith.addf %scan3A_229, %mul3A_274 : vector<16xf32>
            %add3A_276 = arith.constant 3 : i32
            %add3A_277 = arith.addi %mul3A_232, %add3A_276 : i32
            %mul3A_278 = arith.constant 16 : i32
            %mul3A_279 = arith.muli %add3A_277, %mul3A_278 : i32
            %get3A_280 = arith.index_cast %add3A_209 : i32 to index
            %get3A_281 = arith.index_cast %mul3A_279 : i32 to index
            %get3A_282 = tpu.vector_load %arg8[%get3A_280, %get3A_281] {strides = array<i32>} : memref<32x512xf32, #tpu.memory_space<vmem>>, vector<16xf32>,
            %mul3A_283 = arith.constant 16 : i32
            %mul3A_284 = arith.muli %add3A_277, %mul3A_283 : i32
            %get3A_285 = arith.index_cast %add3A_209 : i32 to index
            %get3A_286 = arith.index_cast %mul3A_284 : i32 to index
            %get3A_287 = tpu.vector_load %arg10[%get3A_285, %get3A_286] {strides = array<i32>} : memref<32x512xf32, #tpu.memory_space<vmem>>, vector<16xf32>,
            %sub3A_288 = arith.subf %get3A_282, %get3A_287 : vector<16xf32>
            %mul3A_289 = arith.mulf %sub3A_288, %sub3A_288 : vector<16xf32>
            %add3A_290 = arith.addf %scan3A_230, %mul3A_289 : vector<16xf32>
            %add3A_291 = arith.constant 4 : i32
            %add3A_292 = arith.addi %mul3A_232, %add3A_291 : i32
            %mul3A_293 = arith.constant 16 : i32
            %mul3A_294 = arith.muli %add3A_292, %mul3A_293 : i32
            %get3A_295 = arith.index_cast %add3A_209 : i32 to index
            %get3A_296 = arith.index_cast %mul3A_294 : i32 to index
            %get3A_297 = tpu.vector_load %arg8[%get3A_295, %get3A_296] {strides = array<i32>} : memref<32x512xf32, #tpu.memory_space<vmem>>, vector<16xf32>,
            %mul3A_298 = arith.constant 16 : i32
            %mul3A_299 = arith.muli %add3A_292, %mul3A_298 : i32
            %get3A_300 = arith.index_cast %add3A_209 : i32 to index
            %get3A_301 = arith.index_cast %mul3A_299 : i32 to index
            %get3A_302 = tpu.vector_load %arg10[%get3A_300, %get3A_301] {strides = array<i32>} : memref<32x512xf32, #tpu.memory_space<vmem>>, vector<16xf32>,
            %sub3A_303 = arith.subf %get3A_297, %get3A_302 : vector<16xf32>
            %mul3A_304 = arith.mulf %sub3A_303, %sub3A_303 : vector<16xf32>
            %add3A_305 = arith.addf %add3A_245, %mul3A_304 : vector<16xf32>
            %add3A_306 = arith.constant 5 : i32
            %add3A_307 = arith.addi %mul3A_232, %add3A_306 : i32
            %mul3A_308 = arith.constant 16 : i32
            %mul3A_309 = arith.muli %add3A_307, %mul3A_308 : i32
            %get3A_310 = arith.index_cast %add3A_209 : i32 to index
            %get3A_311 = arith.index_cast %mul3A_309 : i32 to index
            %get3A_312 = tpu.vector_load %arg8[%get3A_310, %get3A_311] {strides = array<i32>} : memref<32x512xf32, #tpu.memory_space<vmem>>, vector<16xf32>,
            %mul3A_313 = arith.constant 16 : i32
            %mul3A_314 = arith.muli %add3A_307, %mul3A_313 : i32
            %get3A_315 = arith.index_cast %add3A_209 : i32 to index
            %get3A_316 = arith.index_cast %mul3A_314 : i32 to index
            %get3A_317 = tpu.vector_load %arg10[%get3A_315, %get3A_316] {strides = array<i32>} : memref<32x512xf32, #tpu.memory_space<vmem>>, vector<16xf32>,
            %sub3A_318 = arith.subf %get3A_312, %get3A_317 : vector<16xf32>
            %mul3A_319 = arith.mulf %sub3A_318, %sub3A_318 : vector<16xf32>
            %add3A_320 = arith.addf %add3A_260, %mul3A_319 : vector<16xf32>
            %add3A_321 = arith.constant 6 : i32
            %add3A_322 = arith.addi %mul3A_232, %add3A_321 : i32
            %mul3A_323 = arith.constant 16 : i32
            %mul3A_324 = arith.muli %add3A_322, %mul3A_323 : i32
            %get3A_325 = arith.index_cast %add3A_209 : i32 to index
            %get3A_326 = arith.index_cast %mul3A_324 : i32 to index
            %get3A_327 = tpu.vector_load %arg8[%get3A_325, %get3A_326] {strides = array<i32>} : memref<32x512xf32, #tpu.memory_space<vmem>>, vector<16xf32>,
            %mul3A_328 = arith.constant 16 : i32
            %mul3A_329 = arith.muli %add3A_322, %mul3A_328 : i32
            %get3A_330 = arith.index_cast %add3A_209 : i32 to index
            %get3A_331 = arith.index_cast %mul3A_329 : i32 to index
            %get3A_332 = tpu.vector_load %arg10[%get3A_330, %get3A_331] {strides = array<i32>} : memref<32x512xf32, #tpu.memory_space<vmem>>, vector<16xf32>,
            %sub3A_333 = arith.subf %get3A_327, %get3A_332 : vector<16xf32>
            %mul3A_334 = arith.mulf %sub3A_333, %sub3A_333 : vector<16xf32>
            %add3A_335 = arith.addf %add3A_275, %mul3A_334 : vector<16xf32>
            %add3A_336 = arith.constant 7 : i32
            %add3A_337 = arith.addi %mul3A_232, %add3A_336 : i32
            %mul3A_338 = arith.constant 16 : i32
            %mul3A_339 = arith.muli %add3A_337, %mul3A_338 : i32
            %get3A_340 = arith.index_cast %add3A_209 : i32 to index
            %get3A_341 = arith.index_cast %mul3A_339 : i32 to index
            %get3A_342 = tpu.vector_load %arg8[%get3A_340, %get3A_341] {strides = array<i32>} : memref<32x512xf32, #tpu.memory_space<vmem>>, vector<16xf32>,
            %mul3A_343 = arith.constant 16 : i32
            %mul3A_344 = arith.muli %add3A_337, %mul3A_343 : i32
            %get3A_345 = arith.index_cast %add3A_209 : i32 to index
            %get3A_346 = arith.index_cast %mul3A_344 : i32 to index
            %get3A_347 = tpu.vector_load %arg10[%get3A_345, %get3A_346] {strides = array<i32>} : memref<32x512xf32, #tpu.memory_space<vmem>>, vector<16xf32>,
            %sub3A_348 = arith.subf %get3A_342, %get3A_347 : vector<16xf32>
            %mul3A_349 = arith.mulf %sub3A_348, %sub3A_348 : vector<16xf32>
            %add3A_350 = arith.addf %add3A_290, %mul3A_349 : vector<16xf32>
            %add3A_351 = arith.constant 8 : i32
            %add3A_352 = arith.addi %mul3A_232, %add3A_351 : i32
            %mul3A_353 = arith.constant 16 : i32
            %mul3A_354 = arith.muli %add3A_352, %mul3A_353 : i32
            %get3A_355 = arith.index_cast %add3A_209 : i32 to index
            %get3A_356 = arith.index_cast %mul3A_354 : i32 to index
            %get3A_357 = tpu.vector_load %arg8[%get3A_355, %get3A_356] {strides = array<i32>} : memref<32x512xf32, #tpu.memory_space<vmem>>, vector<16xf32>,
            %mul3A_358 = arith.constant 16 : i32
            %mul3A_359 = arith.muli %add3A_352, %mul3A_358 : i32
            %get3A_360 = arith.index_cast %add3A_209 : i32 to index
            %get3A_361 = arith.index_cast %mul3A_359 : i32 to index
            %get3A_362 = tpu.vector_load %arg10[%get3A_360, %get3A_361] {strides = array<i32>} : memref<32x512xf32, #tpu.memory_space<vmem>>, vector<16xf32>,
            %sub3A_363 = arith.subf %get3A_357, %get3A_362 : vector<16xf32>
            %mul3A_364 = arith.mulf %sub3A_363, %sub3A_363 : vector<16xf32>
            %add3A_365 = arith.addf %add3A_305, %mul3A_364 : vector<16xf32>
            %add3A_366 = arith.constant 9 : i32
            %add3A_367 = arith.addi %mul3A_232, %add3A_366 : i32
            %mul3A_368 = arith.constant 16 : i32
            %mul3A_369 = arith.muli %add3A_367, %mul3A_368 : i32
            %get3A_370 = arith.index_cast %add3A_209 : i32 to index
            %get3A_371 = arith.index_cast %mul3A_369 : i32 to index
            %get3A_372 = tpu.vector_load %arg8[%get3A_370, %get3A_371] {strides = array<i32>} : memref<32x512xf32, #tpu.memory_space<vmem>>, vector<16xf32>,
            %mul3A_373 = arith.constant 16 : i32
            %mul3A_374 = arith.muli %add3A_367, %mul3A_373 : i32
            %get3A_375 = arith.index_cast %add3A_209 : i32 to index
            %get3A_376 = arith.index_cast %mul3A_374 : i32 to index
            %get3A_377 = tpu.vector_load %arg10[%get3A_375, %get3A_376] {strides = array<i32>} : memref<32x512xf32, #tpu.memory_space<vmem>>, vector<16xf32>,
            %sub3A_378 = arith.subf %get3A_372, %get3A_377 : vector<16xf32>
            %mul3A_379 = arith.mulf %sub3A_378, %sub3A_378 : vector<16xf32>
            %add3A_380 = arith.addf %add3A_320, %mul3A_379 : vector<16xf32>
            %add3A_381 = arith.constant 10 : i32
            %add3A_382 = arith.addi %mul3A_232, %add3A_381 : i32
            %mul3A_383 = arith.constant 16 : i32
            %mul3A_384 = arith.muli %add3A_382, %mul3A_383 : i32
            %get3A_385 = arith.index_cast %add3A_209 : i32 to index
            %get3A_386 = arith.index_cast %mul3A_384 : i32 to index
            %get3A_387 = tpu.vector_load %arg8[%get3A_385, %get3A_386] {strides = array<i32>} : memref<32x512xf32, #tpu.memory_space<vmem>>, vector<16xf32>,
            %mul3A_388 = arith.constant 16 : i32
            %mul3A_389 = arith.muli %add3A_382, %mul3A_388 : i32
            %get3A_390 = arith.index_cast %add3A_209 : i32 to index
            %get3A_391 = arith.index_cast %mul3A_389 : i32 to index
            %get3A_392 = tpu.vector_load %arg10[%get3A_390, %get3A_391] {strides = array<i32>} : memref<32x512xf32, #tpu.memory_space<vmem>>, vector<16xf32>,
            %sub3A_393 = arith.subf %get3A_387, %get3A_392 : vector<16xf32>
            %mul3A_394 = arith.mulf %sub3A_393, %sub3A_393 : vector<16xf32>
            %add3A_395 = arith.addf %add3A_335, %mul3A_394 : vector<16xf32>
            %add3A_396 = arith.constant 11 : i32
            %add3A_397 = arith.addi %mul3A_232, %add3A_396 : i32
            %mul3A_398 = arith.constant 16 : i32
            %mul3A_399 = arith.muli %add3A_397, %mul3A_398 : i32
            %get3A_400 = arith.index_cast %add3A_209 : i32 to index
            %get3A_401 = arith.index_cast %mul3A_399 : i32 to index
            %get3A_402 = tpu.vector_load %arg8[%get3A_400, %get3A_401] {strides = array<i32>} : memref<32x512xf32, #tpu.memory_space<vmem>>, vector<16xf32>,
            %mul3A_403 = arith.constant 16 : i32
            %mul3A_404 = arith.muli %add3A_397, %mul3A_403 : i32
            %get3A_405 = arith.index_cast %add3A_209 : i32 to index
            %get3A_406 = arith.index_cast %mul3A_404 : i32 to index
            %get3A_407 = tpu.vector_load %arg10[%get3A_405, %get3A_406] {strides = array<i32>} : memref<32x512xf32, #tpu.memory_space<vmem>>, vector<16xf32>,
            %sub3A_408 = arith.subf %get3A_402, %get3A_407 : vector<16xf32>
            %mul3A_409 = arith.mulf %sub3A_408, %sub3A_408 : vector<16xf32>
            %add3A_410 = arith.addf %add3A_350, %mul3A_409 : vector<16xf32>
            %add3A_411 = arith.constant 12 : i32
            %add3A_412 = arith.addi %mul3A_232, %add3A_411 : i32
            %mul3A_413 = arith.constant 16 : i32
            %mul3A_414 = arith.muli %add3A_412, %mul3A_413 : i32
            %get3A_415 = arith.index_cast %add3A_209 : i32 to index
            %get3A_416 = arith.index_cast %mul3A_414 : i32 to index
            %get3A_417 = tpu.vector_load %arg8[%get3A_415, %get3A_416] {strides = array<i32>} : memref<32x512xf32, #tpu.memory_space<vmem>>, vector<16xf32>,
            %mul3A_418 = arith.constant 16 : i32
            %mul3A_419 = arith.muli %add3A_412, %mul3A_418 : i32
            %get3A_420 = arith.index_cast %add3A_209 : i32 to index
            %get3A_421 = arith.index_cast %mul3A_419 : i32 to index
            %get3A_422 = tpu.vector_load %arg10[%get3A_420, %get3A_421] {strides = array<i32>} : memref<32x512xf32, #tpu.memory_space<vmem>>, vector<16xf32>,
            %sub3A_423 = arith.subf %get3A_417, %get3A_422 : vector<16xf32>
            %mul3A_424 = arith.mulf %sub3A_423, %sub3A_423 : vector<16xf32>
            %add3A_425 = arith.addf %add3A_365, %mul3A_424 : vector<16xf32>
            %add3A_426 = arith.constant 13 : i32
            %add3A_427 = arith.addi %mul3A_232, %add3A_426 : i32
            %mul3A_428 = arith.constant 16 : i32
            %mul3A_429 = arith.muli %add3A_427, %mul3A_428 : i32
            %get3A_430 = arith.index_cast %add3A_209 : i32 to index
            %get3A_431 = arith.index_cast %mul3A_429 : i32 to index
            %get3A_432 = tpu.vector_load %arg8[%get3A_430, %get3A_431] {strides = array<i32>} : memref<32x512xf32, #tpu.memory_space<vmem>>, vector<16xf32>,
            %mul3A_433 = arith.constant 16 : i32
            %mul3A_434 = arith.muli %add3A_427, %mul3A_433 : i32
            %get3A_435 = arith.index_cast %add3A_209 : i32 to index
            %get3A_436 = arith.index_cast %mul3A_434 : i32 to index
            %get3A_437 = tpu.vector_load %arg10[%get3A_435, %get3A_436] {strides = array<i32>} : memref<32x512xf32, #tpu.memory_space<vmem>>, vector<16xf32>,
            %sub3A_438 = arith.subf %get3A_432, %get3A_437 : vector<16xf32>
            %mul3A_439 = arith.mulf %sub3A_438, %sub3A_438 : vector<16xf32>
            %add3A_440 = arith.addf %add3A_380, %mul3A_439 : vector<16xf32>
            %add3A_441 = arith.constant 14 : i32
            %add3A_442 = arith.addi %mul3A_232, %add3A_441 : i32
            %mul3A_443 = arith.constant 16 : i32
            %mul3A_444 = arith.muli %add3A_442, %mul3A_443 : i32
            %get3A_445 = arith.index_cast %add3A_209 : i32 to index
            %get3A_446 = arith.index_cast %mul3A_444 : i32 to index
            %get3A_447 = tpu.vector_load %arg8[%get3A_445, %get3A_446] {strides = array<i32>} : memref<32x512xf32, #tpu.memory_space<vmem>>, vector<16xf32>,
            %mul3A_448 = arith.constant 16 : i32
            %mul3A_449 = arith.muli %add3A_442, %mul3A_448 : i32
            %get3A_450 = arith.index_cast %add3A_209 : i32 to index
            %get3A_451 = arith.index_cast %mul3A_449 : i32 to index
            %get3A_452 = tpu.vector_load %arg10[%get3A_450, %get3A_451] {strides = array<i32>} : memref<32x512xf32, #tpu.memory_space<vmem>>, vector<16xf32>,
            %sub3A_453 = arith.subf %get3A_447, %get3A_452 : vector<16xf32>
            %mul3A_454 = arith.mulf %sub3A_453, %sub3A_453 : vector<16xf32>
            %add3A_455 = arith.addf %add3A_395, %mul3A_454 : vector<16xf32>
            %add3A_456 = arith.constant 15 : i32
            %add3A_457 = arith.addi %mul3A_232, %add3A_456 : i32
            %mul3A_458 = arith.constant 16 : i32
            %mul3A_459 = arith.muli %add3A_457, %mul3A_458 : i32
            %get3A_460 = arith.index_cast %add3A_209 : i32 to index
            %get3A_461 = arith.index_cast %mul3A_459 : i32 to index
            %get3A_462 = tpu.vector_load %arg8[%get3A_460, %get3A_461] {strides = array<i32>} : memref<32x512xf32, #tpu.memory_space<vmem>>, vector<16xf32>,
            %mul3A_463 = arith.constant 16 : i32
            %mul3A_464 = arith.muli %add3A_457, %mul3A_463 : i32
            %get3A_465 = arith.index_cast %add3A_209 : i32 to index
            %get3A_466 = arith.index_cast %mul3A_464 : i32 to index
            %get3A_467 = tpu.vector_load %arg10[%get3A_465, %get3A_466] {strides = array<i32>} : memref<32x512xf32, #tpu.memory_space<vmem>>, vector<16xf32>,
            %sub3A_468 = arith.subf %get3A_462, %get3A_467 : vector<16xf32>
            %mul3A_469 = arith.mulf %sub3A_468, %sub3A_468 : vector<16xf32>
            %add3A_470 = arith.addf %add3A_410, %mul3A_469 : vector<16xf32>
            scf.yield %add3A_425, %add3A_440, %add3A_455, %add3A_470 : vector<16xf32>, vector<16xf32>, vector<16xf32>, vector<16xf32>
          }
          %scan3A_217 = arith.constant 2 : i32
          %add3A_218 = arith.addf %scan3A_216#0, %scan3A_216#1 : vector<16xf32>
          %add3A_219 = arith.addf %scan3A_216#2, %scan3A_216#3 : vector<16xf32>
          %add3A_220 = arith.addf %add3A_218, %add3A_219 : vector<16xf32>
          %mul3A_221 = arith.constant 16 : i32
          %mul3A_222 = arith.muli %scan3A_205, %mul3A_221 : i32
          %swap3A_223 = arith.index_cast %mul3A_222 : i32 to index
          %swap3A_224 = tpu.vector_load %arg12[%swap3A_223] {strides = array<i32>} : memref<256xf32, #tpu.memory_space<vmem>>, vector<16xf32>,
          tpu.vector_store %arg12[%swap3A_223], %add3A_220 {strides = array<i32>} : memref<256xf32, #tpu.memory_space<vmem>>, vector<16xf32>,
          %scan3A_225 = arith.constant 0 : i32
          scf.yield %scan3A_225 : i32
        }
        %scan3A_76 = arith.constant 16 : i32
        %mul3A_77 = arith.constant 16 : i32
        %mul3A_78 = vector.broadcast %mul3A_77 : i32 to vector<16xi32>
        %mul3A_79 = arith.muli %iota3A, %mul3A_78 : vector<16xi32>
        %gather3A = tpu.vector_load_idx %arg12[%mul3A_79] : memref<256xf32, #tpu.memory_space<vmem>>[vector<16xi32>], vector<16xf32>,
        %mul3A_80 = arith.constant 16 : i32
        %mul3A_81 = vector.broadcast %mul3A_80 : i32 to vector<16xi32>
        %mul3A_82 = arith.muli %iota3A, %mul3A_81 : vector<16xi32>
        %add3A_83 = arith.constant 1 : i32
        %add3A_84 = vector.broadcast %add3A_83 : i32 to vector<16xi32>
        %add3A_85 = arith.addi %mul3A_82, %add3A_84 : vector<16xi32>
        %gather3A_86 = tpu.vector_load_idx %arg12[%add3A_85] : memref<256xf32, #tpu.memory_space<vmem>>[vector<16xi32>], vector<16xf32>,
        %add3A_87 = arith.addf %gather3A, %gather3A_86 : vector<16xf32>
        %mul3A_88 = arith.constant 16 : i32
        %mul3A_89 = vector.broadcast %mul3A_88 : i32 to vector<16xi32>
        %mul3A_90 = arith.muli %iota3A, %mul3A_89 : vector<16xi32>
        %add3A_91 = arith.constant 2 : i32
        %add3A_92 = vector.broadcast %add3A_91 : i32 to vector<16xi32>
        %add3A_93 = arith.addi %mul3A_90, %add3A_92 : vector<16xi32>
        %gather3A_94 = tpu.vector_load_idx %arg12[%add3A_93] : memref<256xf32, #tpu.memory_space<vmem>>[vector<16xi32>], vector<16xf32>,
        %add3A_95 = arith.addf %add3A_87, %gather3A_94 : vector<16xf32>
        %mul3A_96 = arith.constant 16 : i32
        %mul3A_97 = vector.broadcast %mul3A_96 : i32 to vector<16xi32>
        %mul3A_98 = arith.muli %iota3A, %mul3A_97 : vector<16xi32>
        %add3A_99 = arith.constant 3 : i32
        %add3A_100 = vector.broadcast %add3A_99 : i32 to vector<16xi32>
        %add3A_101 = arith.addi %mul3A_98, %add3A_100 : vector<16xi32>
        %gather3A_102 = tpu.vector_load_idx %arg12[%add3A_101] : memref<256xf32, #tpu.memory_space<vmem>>[vector<16xi32>], vector<16xf32>,
        %add3A_103 = arith.addf %add3A_95, %gather3A_102 : vector<16xf32>
        %mul3A_104 = arith.constant 16 : i32
        %mul3A_105 = vector.broadcast %mul3A_104 : i32 to vector<16xi32>
        %mul3A_106 = arith.muli %iota3A, %mul3A_105 : vector<16xi32>
        %add3A_107 = arith.constant 4 : i32
        %add3A_108 = vector.broadcast %add3A_107 : i32 to vector<16xi32>
        %add3A_109 = arith.addi %mul3A_106, %add3A_108 : vector<16xi32>
        %gather3A_110 = tpu.vector_load_idx %arg12[%add3A_109] : memref<256xf32, #tpu.memory_space<vmem>>[vector<16xi32>], vector<16xf32>,
        %add3A_111 = arith.addf %add3A_103, %gather3A_110 : vector<16xf32>
        %mul3A_112 = arith.constant 16 : i32
        %mul3A_113 = vector.broadcast %mul3A_112 : i32 to vector<16xi32>
        %mul3A_114 = arith.muli %iota3A, %mul3A_113 : vector<16xi32>
        %add3A_115 = arith.constant 5 : i32
        %add3A_116 = vector.broadcast %add3A_115 : i32 to vector<16xi32>
        %add3A_117 = arith.addi %mul3A_114, %add3A_116 : vector<16xi32>
        %gather3A_118 = tpu.vector_load_idx %arg12[%add3A_117] : memref<256xf32, #tpu.memory_space<vmem>>[vector<16xi32>], vector<16xf32>,
        %add3A_119 = arith.addf %add3A_111, %gather3A_118 : vector<16xf32>
        %mul3A_120 = arith.constant 16 : i32
        %mul3A_121 = vector.broadcast %mul3A_120 : i32 to vector<16xi32>
        %mul3A_122 = arith.muli %iota3A, %mul3A_121 : vector<16xi32>
        %add3A_123 = arith.constant 6 : i32
        %add3A_124 = vector.broadcast %add3A_123 : i32 to vector<16xi32>
        %add3A_125 = arith.addi %mul3A_122, %add3A_124 : vector<16xi32>
        %gather3A_126 = tpu.vector_load_idx %arg12[%add3A_125] : memref<256xf32, #tpu.memory_space<vmem>>[vector<16xi32>], vector<16xf32>,
        %add3A_127 = arith.addf %add3A_119, %gather3A_126 : vector<16xf32>
        %mul3A_128 = arith.constant 16 : i32
        %mul3A_129 = vector.broadcast %mul3A_128 : i32 to vector<16xi32>
        %mul3A_130 = arith.muli %iota3A, %mul3A_129 : vector<16xi32>
        %add3A_131 = arith.constant 7 : i32
        %add3A_132 = vector.broadcast %add3A_131 : i32 to vector<16xi32>
        %add3A_133 = arith.addi %mul3A_130, %add3A_132 : vector<16xi32>
        %gather3A_134 = tpu.vector_load_idx %arg12[%add3A_133] : memref<256xf32, #tpu.memory_space<vmem>>[vector<16xi32>], vector<16xf32>,
        %add3A_135 = arith.addf %add3A_127, %gather3A_134 : vector<16xf32>
        %mul3A_136 = arith.constant 16 : i32
        %mul3A_137 = vector.broadcast %mul3A_136 : i32 to vector<16xi32>
        %mul3A_138 = arith.muli %iota3A, %mul3A_137 : vector<16xi32>
        %add3A_139 = arith.constant 8 : i32
        %add3A_140 = vector.broadcast %add3A_139 : i32 to vector<16xi32>
        %add3A_141 = arith.addi %mul3A_138, %add3A_140 : vector<16xi32>
        %gather3A_142 = tpu.vector_load_idx %arg12[%add3A_141] : memref<256xf32, #tpu.memory_space<vmem>>[vector<16xi32>], vector<16xf32>,
        %add3A_143 = arith.addf %add3A_135, %gather3A_142 : vector<16xf32>
        %mul3A_144 = arith.constant 16 : i32
        %mul3A_145 = vector.broadcast %mul3A_144 : i32 to vector<16xi32>
        %mul3A_146 = arith.muli %iota3A, %mul3A_145 : vector<16xi32>
        %add3A_147 = arith.constant 9 : i32
        %add3A_148 = vector.broadcast %add3A_147 : i32 to vector<16xi32>
        %add3A_149 = arith.addi %mul3A_146, %add3A_148 : vector<16xi32>
        %gather3A_150 = tpu.vector_load_idx %arg12[%add3A_149] : memref<256xf32, #tpu.memory_space<vmem>>[vector<16xi32>], vector<16xf32>,
        %add3A_151 = arith.addf %add3A_143, %gather3A_150 : vector<16xf32>
        %mul3A_152 = arith.constant 16 : i32
        %mul3A_153 = vector.broadcast %mul3A_152 : i32 to vector<16xi32>
        %mul3A_154 = arith.muli %iota3A, %mul3A_153 : vector<16xi32>
        %add3A_155 = arith.constant 10 : i32
        %add3A_156 = vector.broadcast %add3A_155 : i32 to vector<16xi32>
        %add3A_157 = arith.addi %mul3A_154, %add3A_156 : vector<16xi32>
        %gather3A_158 = tpu.vector_load_idx %arg12[%add3A_157] : memref<256xf32, #tpu.memory_space<vmem>>[vector<16xi32>], vector<16xf32>,
        %add3A_159 = arith.addf %add3A_151, %gather3A_158 : vector<16xf32>
        %mul3A_160 = arith.constant 16 : i32
        %mul3A_161 = vector.broadcast %mul3A_160 : i32 to vector<16xi32>
        %mul3A_162 = arith.muli %iota3A, %mul3A_161 : vector<16xi32>
        %add3A_163 = arith.constant 11 : i32
        %add3A_164 = vector.broadcast %add3A_163 : i32 to vector<16xi32>
        %add3A_165 = arith.addi %mul3A_162, %add3A_164 : vector<16xi32>
        %gather3A_166 = tpu.vector_load_idx %arg12[%add3A_165] : memref<256xf32, #tpu.memory_space<vmem>>[vector<16xi32>], vector<16xf32>,
        %add3A_167 = arith.addf %add3A_159, %gather3A_166 : vector<16xf32>
        %mul3A_168 = arith.constant 16 : i32
        %mul3A_169 = vector.broadcast %mul3A_168 : i32 to vector<16xi32>
        %mul3A_170 = arith.muli %iota3A, %mul3A_169 : vector<16xi32>
        %add3A_171 = arith.constant 12 : i32
        %add3A_172 = vector.broadcast %add3A_171 : i32 to vector<16xi32>
        %add3A_173 = arith.addi %mul3A_170, %add3A_172 : vector<16xi32>
        %gather3A_174 = tpu.vector_load_idx %arg12[%add3A_173] : memref<256xf32, #tpu.memory_space<vmem>>[vector<16xi32>], vector<16xf32>,
        %add3A_175 = arith.addf %add3A_167, %gather3A_174 : vector<16xf32>
        %mul3A_176 = arith.constant 16 : i32
        %mul3A_177 = vector.broadcast %mul3A_176 : i32 to vector<16xi32>
        %mul3A_178 = arith.muli %iota3A, %mul3A_177 : vector<16xi32>
        %add3A_179 = arith.constant 13 : i32
        %add3A_180 = vector.broadcast %add3A_179 : i32 to vector<16xi32>
        %add3A_181 = arith.addi %mul3A_178, %add3A_180 : vector<16xi32>
        %gather3A_182 = tpu.vector_load_idx %arg12[%add3A_181] : memref<256xf32, #tpu.memory_space<vmem>>[vector<16xi32>], vector<16xf32>,
        %add3A_183 = arith.addf %add3A_175, %gather3A_182 : vector<16xf32>
        %mul3A_184 = arith.constant 16 : i32
        %mul3A_185 = vector.broadcast %mul3A_184 : i32 to vector<16xi32>
        %mul3A_186 = arith.muli %iota3A, %mul3A_185 : vector<16xi32>
        %add3A_187 = arith.constant 14 : i32
        %add3A_188 = vector.broadcast %add3A_187 : i32 to vector<16xi32>
        %add3A_189 = arith.addi %mul3A_186, %add3A_188 : vector<16xi32>
        %gather3A_190 = tpu.vector_load_idx %arg12[%add3A_189] : memref<256xf32, #tpu.memory_space<vmem>>[vector<16xi32>], vector<16xf32>,
        %add3A_191 = arith.addf %add3A_183, %gather3A_190 : vector<16xf32>
        %mul3A_192 = arith.constant 16 : i32
        %mul3A_193 = vector.broadcast %mul3A_192 : i32 to vector<16xi32>
        %mul3A_194 = arith.muli %iota3A, %mul3A_193 : vector<16xi32>
        %add3A_195 = arith.constant 15 : i32
        %add3A_196 = vector.broadcast %add3A_195 : i32 to vector<16xi32>
        %add3A_197 = arith.addi %mul3A_194, %add3A_196 : vector<16xi32>
        %gather3A_198 = tpu.vector_load_idx %arg12[%add3A_197] : memref<256xf32, #tpu.memory_space<vmem>>[vector<16xi32>], vector<16xf32>,
        %add3A_199 = arith.addf %add3A_191, %gather3A_198 : vector<16xf32>
        %max3A = arith.constant 9.99999996E-13 : f32
        %max3A_200 = vector.broadcast %max3A : f32 to vector<16xf32>
        %max3A_201 = arith.maximumf %add3A_199, %max3A_200 : vector<16xf32>
        %min3A = arith.constant 9.99999995E+11 : f32
        %min3A_202 = vector.broadcast %min3A : f32 to vector<16xf32>
        %min3A_203 = arith.minimumf %max3A_201, %min3A_202 : vector<16xf32>
        %add3A_204 = arith.addf %scan3A_69, %min3A_203 : vector<16xf32>
        scf.yield %add3A_204 : vector<16xf32>
      }
      %scan3A_42 = arith.constant 2 : i32
      %add3A_43 = arith.constant 1 : i32
      %add3A_44 = arith.addi %mul3A_21, %add3A_43 : i32
      %add3A_45 = arith.constant 1 : i32
      %add3A_46 = arith.addi %add3A_44, %add3A_45 : i32
      %lt3A_47 = arith.constant 16 : i32
      %lt3A_48 = arith.cmpi slt, %add3A_46, %lt3A_47 : i32
      %convert_element_type3A_49 = arith.extui %lt3A_48 : i1 to i32
      %cond3A_50 = arith.constant 0 : i32
      %cond3A_51 = arith.cmpi ne, %convert_element_type3A_49, %cond3A_50 : i32
      scf.if %cond3A_51 {
        %add3A_68 = arith.constant 1 : i32
        %add3A_69 = arith.addi %add3A_44, %add3A_68 : i32
        %mul3A_70 = arith.constant 32 : i32
        %mul3A_71 = arith.muli %add3A_69, %mul3A_70 : i32
        %add3A_72 = arith.addi %mul3A_2, %mul3A_71 : i32
        %dma_start3A_73 = arith.constant 0 : i32
        %dma_start3A_74 = tpu.memref_slice %arg2[%add3A_72, %dma_start3A_73] : memref<16384x512xf32, #tpu.memory_space<hbm>> -> memref<32x512xf32, #tpu.memory_space<hbm>>
        %dma_start3A_75 = arith.constant 0 : i32
        %dma_start3A_76 = tpu.memref_slice %arg2[%add3A_72, %dma_start3A_75] : memref<16384x512xf32, #tpu.memory_space<hbm>> -> memref<32x512xf32, #tpu.memory_space<hbm>>
        tpu.enqueue_dma source(%dma_start3A_76 : memref<32x512xf32, #tpu.memory_space<hbm>>) target(%arg8 : memref<32x512xf32, #tpu.memory_space<vmem>>) target_semaphore(%arg14 : memref<!tpu.dma_semaphore, #tpu.memory_space<semaphore_mem>>)
        "tpu.region"() ({
          %run_scoped3A = tpu.sem_alloc : memref<!tpu.dma_semaphore, #tpu.memory_space<semaphore_mem>>
          %dma_start3A_80 = tpu.memref_slice %arg3[%add3A_72] : memref<16384xi32, #tpu.memory_space<hbm>> -> memref<32xi32, #tpu.memory_space<hbm>>
          %dma_start3A_81 = tpu.memref_slice %arg3[%add3A_72] : memref<16384xi32, #tpu.memory_space<hbm>> -> memref<32xi32, #tpu.memory_space<hbm>>
          tpu.enqueue_dma source(%dma_start3A_81 : memref<32xi32, #tpu.memory_space<hbm>>) target(%arg6 : memref<32xi32, #tpu.memory_space<vmem>>) target_semaphore(%run_scoped3A : memref<!tpu.dma_semaphore, #tpu.memory_space<semaphore_mem>>)
          %dma_wait3A_82 = tpu.memref_slice %arg3[%add3A_72] : memref<16384xi32, #tpu.memory_space<hbm>> -> memref<32xi32, #tpu.memory_space<hbm>>
          %dma_wait3A_83 = tpu.memref_slice %arg3[%add3A_72] : memref<16384xi32, #tpu.memory_space<hbm>> -> memref<32xi32, #tpu.memory_space<hbm>>
          tpu.wait_dma2 semaphore(%run_scoped3A : memref<!tpu.dma_semaphore, #tpu.memory_space<semaphore_mem>>) src(%dma_wait3A_83 : memref<32xi32, #tpu.memory_space<hbm>>) dst(%arg6 : memref<32xi32, #tpu.memory_space<vmem>>)
          tpu.yield
        }) : () -> ()
        %dma_start3A_77 = arith.constant 0 : i32
        %dma_start3A_78 = arith.constant 0 : i32
        %dma_start3A_79 = tpu.memref_slice %arg4[%dma_start3A_77, %dma_start3A_78] : memref<10000x512xf32, #tpu.memory_space<hbm>> -> memref<10000x512xf32, #tpu.memory_space<hbm>>
        tpu.enqueue_indirect_dma source(%dma_start3A_79 : memref<10000x512xf32, #tpu.memory_space<hbm>>) target(%arg10 : memref<32x512xf32, #tpu.memory_space<vmem>>) offsets(%arg6 : memref<32xi32, #tpu.memory_space<vmem>>) semaphore(%arg16 : memref<!tpu.dma_semaphore, #tpu.memory_space<semaphore_mem>>)
      } else {
      }
      %mul3A_52 = arith.constant 32 : i32
      %mul3A_53 = arith.muli %add3A_44, %mul3A_52 : i32
      %add3A_54 = arith.addi %mul3A_2, %mul3A_53 : i32
      %dma_wait3A_55 = arith.constant 0 : i32
      %dma_wait3A_56 = tpu.memref_slice %arg2[%add3A_54, %dma_wait3A_55] : memref<16384x512xf32, #tpu.memory_space<hbm>> -> memref<32x512xf32, #tpu.memory_space<hbm>>
      %dma_wait3A_57 = arith.constant 0 : i32
      %dma_wait3A_58 = tpu.memref_slice %arg2[%add3A_54, %dma_wait3A_57] : memref<16384x512xf32, #tpu.memory_space<hbm>> -> memref<32x512xf32, #tpu.memory_space<hbm>>
      tpu.wait_dma2 semaphore(%arg15 : memref<!tpu.dma_semaphore, #tpu.memory_space<semaphore_mem>>) src(%dma_wait3A_58 : memref<32x512xf32, #tpu.memory_space<hbm>>) dst(%arg9 : memref<32x512xf32, #tpu.memory_space<vmem>>)
      %dma_wait3A_59 = arith.constant 0 : i32
      %dma_wait3A_60 = arith.constant 0 : i32
      %dma_wait3A_61 = tpu.memref_slice %arg4[%dma_wait3A_59, %dma_wait3A_60] : memref<10000x512xf32, #tpu.memory_space<hbm>> -> memref<10000x512xf32, #tpu.memory_space<hbm>>
      tpu.wait_indirect_dma semaphore(%arg17 : memref<!tpu.dma_semaphore, #tpu.memory_space<semaphore_mem>>) src(%dma_wait3A_61 : memref<10000x512xf32, #tpu.memory_space<hbm>>) dst(%arg11 : memref<32x512xf32, #tpu.memory_space<vmem>>)
      %scan3A_62 = arith.constant 0 : i32
      %scan3A_63 = arith.constant 2 : i32
      %scan3A_64 = arith.addi %scan3A_62, %scan3A_63 : i32
      %scan3A_65 = arith.constant 1 : i32
      %scan3A_66 = scf.for %scan3A_68 = %scan3A_62 to %scan3A_64 step %scan3A_65 iter_args(%scan3A_69 = %scan3A_41) -> (vector<16xf32>)  : i32 {
        %scan3A_70 = arith.constant 0 : i32
        %scan3A_71 = arith.constant 0 : i32
        %scan3A_72 = arith.constant 16 : i32
        %scan3A_73 = arith.addi %scan3A_71, %scan3A_72 : i32
        %scan3A_74 = arith.constant 1 : i32
        %scan3A_75 = scf.for %scan3A_205 = %scan3A_71 to %scan3A_73 step %scan3A_74 iter_args(%scan3A_206 = %scan3A_70) -> (i32)  : i32 {
          %mul3A_207 = arith.constant 16 : i32
          %mul3A_208 = arith.muli %scan3A_68, %mul3A_207 : i32
          %add3A_209 = arith.addi %mul3A_208, %scan3A_205 : i32
          %broadcast_in_dim3A_210 = arith.constant 0.000000e+00 : f32
          %broadcast_in_dim3A_211 = vector.broadcast %broadcast_in_dim3A_210 : f32 to vector<16xf32>
          %scan3A_212 = arith.constant 0 : i32
          %scan3A_213 = arith.constant 2 : i32
          %scan3A_214 = arith.addi %scan3A_212, %scan3A_213 : i32
          %scan3A_215 = arith.constant 1 : i32
          %scan3A_216:4 = scf.for %scan3A_226 = %scan3A_212 to %scan3A_214 step %scan3A_215 iter_args(%scan3A_227 = %broadcast_in_dim3A_211, %scan3A_228 = %broadcast_in_dim3A_211, %scan3A_229 = %broadcast_in_dim3A_211, %scan3A_230 = %broadcast_in_dim3A_211) -> (vector<16xf32>, vector<16xf32>, vector<16xf32>, vector<16xf32>)  : i32 {
            %mul3A_231 = arith.constant 16 : i32
            %mul3A_232 = arith.muli %scan3A_226, %mul3A_231 : i32
            %add3A_233 = arith.constant 0 : i32
            %add3A_234 = arith.addi %mul3A_232, %add3A_233 : i32
            %mul3A_235 = arith.constant 16 : i32
            %mul3A_236 = arith.muli %add3A_234, %mul3A_235 : i32
            %get3A = arith.index_cast %add3A_209 : i32 to index
            %get3A_237 = arith.index_cast %mul3A_236 : i32 to index
            %get3A_238 = tpu.vector_load %arg9[%get3A, %get3A_237] {strides = array<i32>} : memref<32x512xf32, #tpu.memory_space<vmem>>, vector<16xf32>,
            %mul3A_239 = arith.constant 16 : i32
            %mul3A_240 = arith.muli %add3A_234, %mul3A_239 : i32
            %get3A_241 = arith.index_cast %add3A_209 : i32 to index
            %get3A_242 = arith.index_cast %mul3A_240 : i32 to index
            %get3A_243 = tpu.vector_load %arg11[%get3A_241, %get3A_242] {strides = array<i32>} : memref<32x512xf32, #tpu.memory_space<vmem>>, vector<16xf32>,
            %sub3A = arith.subf %get3A_238, %get3A_243 : vector<16xf32>
            %mul3A_244 = arith.mulf %sub3A, %sub3A : vector<16xf32>
            %add3A_245 = arith.addf %scan3A_227, %mul3A_244 : vector<16xf32>
            %add3A_246 = arith.constant 1 : i32
            %add3A_247 = arith.addi %mul3A_232, %add3A_246 : i32
            %mul3A_248 = arith.constant 16 : i32
            %mul3A_249 = arith.muli %add3A_247, %mul3A_248 : i32
            %get3A_250 = arith.index_cast %add3A_209 : i32 to index
            %get3A_251 = arith.index_cast %mul3A_249 : i32 to index
            %get3A_252 = tpu.vector_load %arg9[%get3A_250, %get3A_251] {strides = array<i32>} : memref<32x512xf32, #tpu.memory_space<vmem>>, vector<16xf32>,
            %mul3A_253 = arith.constant 16 : i32
            %mul3A_254 = arith.muli %add3A_247, %mul3A_253 : i32
            %get3A_255 = arith.index_cast %add3A_209 : i32 to index
            %get3A_256 = arith.index_cast %mul3A_254 : i32 to index
            %get3A_257 = tpu.vector_load %arg11[%get3A_255, %get3A_256] {strides = array<i32>} : memref<32x512xf32, #tpu.memory_space<vmem>>, vector<16xf32>,
            %sub3A_258 = arith.subf %get3A_252, %get3A_257 : vector<16xf32>
            %mul3A_259 = arith.mulf %sub3A_258, %sub3A_258 : vector<16xf32>
            %add3A_260 = arith.addf %scan3A_228, %mul3A_259 : vector<16xf32>
            %add3A_261 = arith.constant 2 : i32
            %add3A_262 = arith.addi %mul3A_232, %add3A_261 : i32
            %mul3A_263 = arith.constant 16 : i32
            %mul3A_264 = arith.muli %add3A_262, %mul3A_263 : i32
            %get3A_265 = arith.index_cast %add3A_209 : i32 to index
            %get3A_266 = arith.index_cast %mul3A_264 : i32 to index
            %get3A_267 = tpu.vector_load %arg9[%get3A_265, %get3A_266] {strides = array<i32>} : memref<32x512xf32, #tpu.memory_space<vmem>>, vector<16xf32>,
            %mul3A_268 = arith.constant 16 : i32
            %mul3A_269 = arith.muli %add3A_262, %mul3A_268 : i32
            %get3A_270 = arith.index_cast %add3A_209 : i32 to index
            %get3A_271 = arith.index_cast %mul3A_269 : i32 to index
            %get3A_272 = tpu.vector_load %arg11[%get3A_270, %get3A_271] {strides = array<i32>} : memref<32x512xf32, #tpu.memory_space<vmem>>, vector<16xf32>,
            %sub3A_273 = arith.subf %get3A_267, %get3A_272 : vector<16xf32>
            %mul3A_274 = arith.mulf %sub3A_273, %sub3A_273 : vector<16xf32>
            %add3A_275 = arith.addf %scan3A_229, %mul3A_274 : vector<16xf32>
            %add3A_276 = arith.constant 3 : i32
            %add3A_277 = arith.addi %mul3A_232, %add3A_276 : i32
            %mul3A_278 = arith.constant 16 : i32
            %mul3A_279 = arith.muli %add3A_277, %mul3A_278 : i32
            %get3A_280 = arith.index_cast %add3A_209 : i32 to index
            %get3A_281 = arith.index_cast %mul3A_279 : i32 to index
            %get3A_282 = tpu.vector_load %arg9[%get3A_280, %get3A_281] {strides = array<i32>} : memref<32x512xf32, #tpu.memory_space<vmem>>, vector<16xf32>,
            %mul3A_283 = arith.constant 16 : i32
            %mul3A_284 = arith.muli %add3A_277, %mul3A_283 : i32
            %get3A_285 = arith.index_cast %add3A_209 : i32 to index
            %get3A_286 = arith.index_cast %mul3A_284 : i32 to index
            %get3A_287 = tpu.vector_load %arg11[%get3A_285, %get3A_286] {strides = array<i32>} : memref<32x512xf32, #tpu.memory_space<vmem>>, vector<16xf32>,
            %sub3A_288 = arith.subf %get3A_282, %get3A_287 : vector<16xf32>
            %mul3A_289 = arith.mulf %sub3A_288, %sub3A_288 : vector<16xf32>
            %add3A_290 = arith.addf %scan3A_230, %mul3A_289 : vector<16xf32>
            %add3A_291 = arith.constant 4 : i32
            %add3A_292 = arith.addi %mul3A_232, %add3A_291 : i32
            %mul3A_293 = arith.constant 16 : i32
            %mul3A_294 = arith.muli %add3A_292, %mul3A_293 : i32
            %get3A_295 = arith.index_cast %add3A_209 : i32 to index
            %get3A_296 = arith.index_cast %mul3A_294 : i32 to index
            %get3A_297 = tpu.vector_load %arg9[%get3A_295, %get3A_296] {strides = array<i32>} : memref<32x512xf32, #tpu.memory_space<vmem>>, vector<16xf32>,
            %mul3A_298 = arith.constant 16 : i32
            %mul3A_299 = arith.muli %add3A_292, %mul3A_298 : i32
            %get3A_300 = arith.index_cast %add3A_209 : i32 to index
            %get3A_301 = arith.index_cast %mul3A_299 : i32 to index
            %get3A_302 = tpu.vector_load %arg11[%get3A_300, %get3A_301] {strides = array<i32>} : memref<32x512xf32, #tpu.memory_space<vmem>>, vector<16xf32>,
            %sub3A_303 = arith.subf %get3A_297, %get3A_302 : vector<16xf32>
            %mul3A_304 = arith.mulf %sub3A_303, %sub3A_303 : vector<16xf32>
            %add3A_305 = arith.addf %add3A_245, %mul3A_304 : vector<16xf32>
            %add3A_306 = arith.constant 5 : i32
            %add3A_307 = arith.addi %mul3A_232, %add3A_306 : i32
            %mul3A_308 = arith.constant 16 : i32
            %mul3A_309 = arith.muli %add3A_307, %mul3A_308 : i32
            %get3A_310 = arith.index_cast %add3A_209 : i32 to index
            %get3A_311 = arith.index_cast %mul3A_309 : i32 to index
            %get3A_312 = tpu.vector_load %arg9[%get3A_310, %get3A_311] {strides = array<i32>} : memref<32x512xf32, #tpu.memory_space<vmem>>, vector<16xf32>,
            %mul3A_313 = arith.constant 16 : i32
            %mul3A_314 = arith.muli %add3A_307, %mul3A_313 : i32
            %get3A_315 = arith.index_cast %add3A_209 : i32 to index
            %get3A_316 = arith.index_cast %mul3A_314 : i32 to index
            %get3A_317 = tpu.vector_load %arg11[%get3A_315, %get3A_316] {strides = array<i32>} : memref<32x512xf32, #tpu.memory_space<vmem>>, vector<16xf32>,
            %sub3A_318 = arith.subf %get3A_312, %get3A_317 : vector<16xf32>
            %mul3A_319 = arith.mulf %sub3A_318, %sub3A_318 : vector<16xf32>
            %add3A_320 = arith.addf %add3A_260, %mul3A_319 : vector<16xf32>
            %add3A_321 = arith.constant 6 : i32
            %add3A_322 = arith.addi %mul3A_232, %add3A_321 : i32
            %mul3A_323 = arith.constant 16 : i32
            %mul3A_324 = arith.muli %add3A_322, %mul3A_323 : i32
            %get3A_325 = arith.index_cast %add3A_209 : i32 to index
            %get3A_326 = arith.index_cast %mul3A_324 : i32 to index
            %get3A_327 = tpu.vector_load %arg9[%get3A_325, %get3A_326] {strides = array<i32>} : memref<32x512xf32, #tpu.memory_space<vmem>>, vector<16xf32>,
            %mul3A_328 = arith.constant 16 : i32
            %mul3A_329 = arith.muli %add3A_322, %mul3A_328 : i32
            %get3A_330 = arith.index_cast %add3A_209 : i32 to index
            %get3A_331 = arith.index_cast %mul3A_329 : i32 to index
            %get3A_332 = tpu.vector_load %arg11[%get3A_330, %get3A_331] {strides = array<i32>} : memref<32x512xf32, #tpu.memory_space<vmem>>, vector<16xf32>,
            %sub3A_333 = arith.subf %get3A_327, %get3A_332 : vector<16xf32>
            %mul3A_334 = arith.mulf %sub3A_333, %sub3A_333 : vector<16xf32>
            %add3A_335 = arith.addf %add3A_275, %mul3A_334 : vector<16xf32>
            %add3A_336 = arith.constant 7 : i32
            %add3A_337 = arith.addi %mul3A_232, %add3A_336 : i32
            %mul3A_338 = arith.constant 16 : i32
            %mul3A_339 = arith.muli %add3A_337, %mul3A_338 : i32
            %get3A_340 = arith.index_cast %add3A_209 : i32 to index
            %get3A_341 = arith.index_cast %mul3A_339 : i32 to index
            %get3A_342 = tpu.vector_load %arg9[%get3A_340, %get3A_341] {strides = array<i32>} : memref<32x512xf32, #tpu.memory_space<vmem>>, vector<16xf32>,
            %mul3A_343 = arith.constant 16 : i32
            %mul3A_344 = arith.muli %add3A_337, %mul3A_343 : i32
            %get3A_345 = arith.index_cast %add3A_209 : i32 to index
            %get3A_346 = arith.index_cast %mul3A_344 : i32 to index
            %get3A_347 = tpu.vector_load %arg11[%get3A_345, %get3A_346] {strides = array<i32>} : memref<32x512xf32, #tpu.memory_space<vmem>>, vector<16xf32>,
            %sub3A_348 = arith.subf %get3A_342, %get3A_347 : vector<16xf32>
            %mul3A_349 = arith.mulf %sub3A_348, %sub3A_348 : vector<16xf32>
            %add3A_350 = arith.addf %add3A_290, %mul3A_349 : vector<16xf32>
            %add3A_351 = arith.constant 8 : i32
            %add3A_352 = arith.addi %mul3A_232, %add3A_351 : i32
            %mul3A_353 = arith.constant 16 : i32
            %mul3A_354 = arith.muli %add3A_352, %mul3A_353 : i32
            %get3A_355 = arith.index_cast %add3A_209 : i32 to index
            %get3A_356 = arith.index_cast %mul3A_354 : i32 to index
            %get3A_357 = tpu.vector_load %arg9[%get3A_355, %get3A_356] {strides = array<i32>} : memref<32x512xf32, #tpu.memory_space<vmem>>, vector<16xf32>,
            %mul3A_358 = arith.constant 16 : i32
            %mul3A_359 = arith.muli %add3A_352, %mul3A_358 : i32
            %get3A_360 = arith.index_cast %add3A_209 : i32 to index
            %get3A_361 = arith.index_cast %mul3A_359 : i32 to index
            %get3A_362 = tpu.vector_load %arg11[%get3A_360, %get3A_361] {strides = array<i32>} : memref<32x512xf32, #tpu.memory_space<vmem>>, vector<16xf32>,
            %sub3A_363 = arith.subf %get3A_357, %get3A_362 : vector<16xf32>
            %mul3A_364 = arith.mulf %sub3A_363, %sub3A_363 : vector<16xf32>
            %add3A_365 = arith.addf %add3A_305, %mul3A_364 : vector<16xf32>
            %add3A_366 = arith.constant 9 : i32
            %add3A_367 = arith.addi %mul3A_232, %add3A_366 : i32
            %mul3A_368 = arith.constant 16 : i32
            %mul3A_369 = arith.muli %add3A_367, %mul3A_368 : i32
            %get3A_370 = arith.index_cast %add3A_209 : i32 to index
            %get3A_371 = arith.index_cast %mul3A_369 : i32 to index
            %get3A_372 = tpu.vector_load %arg9[%get3A_370, %get3A_371] {strides = array<i32>} : memref<32x512xf32, #tpu.memory_space<vmem>>, vector<16xf32>,
            %mul3A_373 = arith.constant 16 : i32
            %mul3A_374 = arith.muli %add3A_367, %mul3A_373 : i32
            %get3A_375 = arith.index_cast %add3A_209 : i32 to index
            %get3A_376 = arith.index_cast %mul3A_374 : i32 to index
            %get3A_377 = tpu.vector_load %arg11[%get3A_375, %get3A_376] {strides = array<i32>} : memref<32x512xf32, #tpu.memory_space<vmem>>, vector<16xf32>,
            %sub3A_378 = arith.subf %get3A_372, %get3A_377 : vector<16xf32>
            %mul3A_379 = arith.mulf %sub3A_378, %sub3A_378 : vector<16xf32>
            %add3A_380 = arith.addf %add3A_320, %mul3A_379 : vector<16xf32>
            %add3A_381 = arith.constant 10 : i32
            %add3A_382 = arith.addi %mul3A_232, %add3A_381 : i32
            %mul3A_383 = arith.constant 16 : i32
            %mul3A_384 = arith.muli %add3A_382, %mul3A_383 : i32
            %get3A_385 = arith.index_cast %add3A_209 : i32 to index
            %get3A_386 = arith.index_cast %mul3A_384 : i32 to index
            %get3A_387 = tpu.vector_load %arg9[%get3A_385, %get3A_386] {strides = array<i32>} : memref<32x512xf32, #tpu.memory_space<vmem>>, vector<16xf32>,
            %mul3A_388 = arith.constant 16 : i32
            %mul3A_389 = arith.muli %add3A_382, %mul3A_388 : i32
            %get3A_390 = arith.index_cast %add3A_209 : i32 to index
            %get3A_391 = arith.index_cast %mul3A_389 : i32 to index
            %get3A_392 = tpu.vector_load %arg11[%get3A_390, %get3A_391] {strides = array<i32>} : memref<32x512xf32, #tpu.memory_space<vmem>>, vector<16xf32>,
            %sub3A_393 = arith.subf %get3A_387, %get3A_392 : vector<16xf32>
            %mul3A_394 = arith.mulf %sub3A_393, %sub3A_393 : vector<16xf32>
            %add3A_395 = arith.addf %add3A_335, %mul3A_394 : vector<16xf32>
            %add3A_396 = arith.constant 11 : i32
            %add3A_397 = arith.addi %mul3A_232, %add3A_396 : i32
            %mul3A_398 = arith.constant 16 : i32
            %mul3A_399 = arith.muli %add3A_397, %mul3A_398 : i32
            %get3A_400 = arith.index_cast %add3A_209 : i32 to index
            %get3A_401 = arith.index_cast %mul3A_399 : i32 to index
            %get3A_402 = tpu.vector_load %arg9[%get3A_400, %get3A_401] {strides = array<i32>} : memref<32x512xf32, #tpu.memory_space<vmem>>, vector<16xf32>,
            %mul3A_403 = arith.constant 16 : i32
            %mul3A_404 = arith.muli %add3A_397, %mul3A_403 : i32
            %get3A_405 = arith.index_cast %add3A_209 : i32 to index
            %get3A_406 = arith.index_cast %mul3A_404 : i32 to index
            %get3A_407 = tpu.vector_load %arg11[%get3A_405, %get3A_406] {strides = array<i32>} : memref<32x512xf32, #tpu.memory_space<vmem>>, vector<16xf32>,
            %sub3A_408 = arith.subf %get3A_402, %get3A_407 : vector<16xf32>
            %mul3A_409 = arith.mulf %sub3A_408, %sub3A_408 : vector<16xf32>
            %add3A_410 = arith.addf %add3A_350, %mul3A_409 : vector<16xf32>
            %add3A_411 = arith.constant 12 : i32
            %add3A_412 = arith.addi %mul3A_232, %add3A_411 : i32
            %mul3A_413 = arith.constant 16 : i32
            %mul3A_414 = arith.muli %add3A_412, %mul3A_413 : i32
            %get3A_415 = arith.index_cast %add3A_209 : i32 to index
            %get3A_416 = arith.index_cast %mul3A_414 : i32 to index
            %get3A_417 = tpu.vector_load %arg9[%get3A_415, %get3A_416] {strides = array<i32>} : memref<32x512xf32, #tpu.memory_space<vmem>>, vector<16xf32>,
            %mul3A_418 = arith.constant 16 : i32
            %mul3A_419 = arith.muli %add3A_412, %mul3A_418 : i32
            %get3A_420 = arith.index_cast %add3A_209 : i32 to index
            %get3A_421 = arith.index_cast %mul3A_419 : i32 to index
            %get3A_422 = tpu.vector_load %arg11[%get3A_420, %get3A_421] {strides = array<i32>} : memref<32x512xf32, #tpu.memory_space<vmem>>, vector<16xf32>,
            %sub3A_423 = arith.subf %get3A_417, %get3A_422 : vector<16xf32>
            %mul3A_424 = arith.mulf %sub3A_423, %sub3A_423 : vector<16xf32>
            %add3A_425 = arith.addf %add3A_365, %mul3A_424 : vector<16xf32>
            %add3A_426 = arith.constant 13 : i32
            %add3A_427 = arith.addi %mul3A_232, %add3A_426 : i32
            %mul3A_428 = arith.constant 16 : i32
            %mul3A_429 = arith.muli %add3A_427, %mul3A_428 : i32
            %get3A_430 = arith.index_cast %add3A_209 : i32 to index
            %get3A_431 = arith.index_cast %mul3A_429 : i32 to index
            %get3A_432 = tpu.vector_load %arg9[%get3A_430, %get3A_431] {strides = array<i32>} : memref<32x512xf32, #tpu.memory_space<vmem>>, vector<16xf32>,
            %mul3A_433 = arith.constant 16 : i32
            %mul3A_434 = arith.muli %add3A_427, %mul3A_433 : i32
            %get3A_435 = arith.index_cast %add3A_209 : i32 to index
            %get3A_436 = arith.index_cast %mul3A_434 : i32 to index
            %get3A_437 = tpu.vector_load %arg11[%get3A_435, %get3A_436] {strides = array<i32>} : memref<32x512xf32, #tpu.memory_space<vmem>>, vector<16xf32>,
            %sub3A_438 = arith.subf %get3A_432, %get3A_437 : vector<16xf32>
            %mul3A_439 = arith.mulf %sub3A_438, %sub3A_438 : vector<16xf32>
            %add3A_440 = arith.addf %add3A_380, %mul3A_439 : vector<16xf32>
            %add3A_441 = arith.constant 14 : i32
            %add3A_442 = arith.addi %mul3A_232, %add3A_441 : i32
            %mul3A_443 = arith.constant 16 : i32
            %mul3A_444 = arith.muli %add3A_442, %mul3A_443 : i32
            %get3A_445 = arith.index_cast %add3A_209 : i32 to index
            %get3A_446 = arith.index_cast %mul3A_444 : i32 to index
            %get3A_447 = tpu.vector_load %arg9[%get3A_445, %get3A_446] {strides = array<i32>} : memref<32x512xf32, #tpu.memory_space<vmem>>, vector<16xf32>,
            %mul3A_448 = arith.constant 16 : i32
            %mul3A_449 = arith.muli %add3A_442, %mul3A_448 : i32
            %get3A_450 = arith.index_cast %add3A_209 : i32 to index
            %get3A_451 = arith.index_cast %mul3A_449 : i32 to index
            %get3A_452 = tpu.vector_load %arg11[%get3A_450, %get3A_451] {strides = array<i32>} : memref<32x512xf32, #tpu.memory_space<vmem>>, vector<16xf32>,
            %sub3A_453 = arith.subf %get3A_447, %get3A_452 : vector<16xf32>
            %mul3A_454 = arith.mulf %sub3A_453, %sub3A_453 : vector<16xf32>
            %add3A_455 = arith.addf %add3A_395, %mul3A_454 : vector<16xf32>
            %add3A_456 = arith.constant 15 : i32
            %add3A_457 = arith.addi %mul3A_232, %add3A_456 : i32
            %mul3A_458 = arith.constant 16 : i32
            %mul3A_459 = arith.muli %add3A_457, %mul3A_458 : i32
            %get3A_460 = arith.index_cast %add3A_209 : i32 to index
            %get3A_461 = arith.index_cast %mul3A_459 : i32 to index
            %get3A_462 = tpu.vector_load %arg9[%get3A_460, %get3A_461] {strides = array<i32>} : memref<32x512xf32, #tpu.memory_space<vmem>>, vector<16xf32>,
            %mul3A_463 = arith.constant 16 : i32
            %mul3A_464 = arith.muli %add3A_457, %mul3A_463 : i32
            %get3A_465 = arith.index_cast %add3A_209 : i32 to index
            %get3A_466 = arith.index_cast %mul3A_464 : i32 to index
            %get3A_467 = tpu.vector_load %arg11[%get3A_465, %get3A_466] {strides = array<i32>} : memref<32x512xf32, #tpu.memory_space<vmem>>, vector<16xf32>,
            %sub3A_468 = arith.subf %get3A_462, %get3A_467 : vector<16xf32>
            %mul3A_469 = arith.mulf %sub3A_468, %sub3A_468 : vector<16xf32>
            %add3A_470 = arith.addf %add3A_410, %mul3A_469 : vector<16xf32>
            scf.yield %add3A_425, %add3A_440, %add3A_455, %add3A_470 : vector<16xf32>, vector<16xf32>, vector<16xf32>, vector<16xf32>
          }
          %scan3A_217 = arith.constant 2 : i32
          %add3A_218 = arith.addf %scan3A_216#0, %scan3A_216#1 : vector<16xf32>
          %add3A_219 = arith.addf %scan3A_216#2, %scan3A_216#3 : vector<16xf32>
          %add3A_220 = arith.addf %add3A_218, %add3A_219 : vector<16xf32>
          %mul3A_221 = arith.constant 16 : i32
          %mul3A_222 = arith.muli %scan3A_205, %mul3A_221 : i32
          %swap3A_223 = arith.index_cast %mul3A_222 : i32 to index
          %swap3A_224 = tpu.vector_load %arg12[%swap3A_223] {strides = array<i32>} : memref<256xf32, #tpu.memory_space<vmem>>, vector<16xf32>,
          tpu.vector_store %arg12[%swap3A_223], %add3A_220 {strides = array<i32>} : memref<256xf32, #tpu.memory_space<vmem>>, vector<16xf32>,
          %scan3A_225 = arith.constant 0 : i32
          scf.yield %scan3A_225 : i32
        }
        %scan3A_76 = arith.constant 16 : i32
        %mul3A_77 = arith.constant 16 : i32
        %mul3A_78 = vector.broadcast %mul3A_77 : i32 to vector<16xi32>
        %mul3A_79 = arith.muli %iota3A, %mul3A_78 : vector<16xi32>
        %gather3A = tpu.vector_load_idx %arg12[%mul3A_79] : memref<256xf32, #tpu.memory_space<vmem>>[vector<16xi32>], vector<16xf32>,
        %mul3A_80 = arith.constant 16 : i32
        %mul3A_81 = vector.broadcast %mul3A_80 : i32 to vector<16xi32>
        %mul3A_82 = arith.muli %iota3A, %mul3A_81 : vector<16xi32>
        %add3A_83 = arith.constant 1 : i32
        %add3A_84 = vector.broadcast %add3A_83 : i32 to vector<16xi32>
        %add3A_85 = arith.addi %mul3A_82, %add3A_84 : vector<16xi32>
        %gather3A_86 = tpu.vector_load_idx %arg12[%add3A_85] : memref<256xf32, #tpu.memory_space<vmem>>[vector<16xi32>], vector<16xf32>,
        %add3A_87 = arith.addf %gather3A, %gather3A_86 : vector<16xf32>
        %mul3A_88 = arith.constant 16 : i32
        %mul3A_89 = vector.broadcast %mul3A_88 : i32 to vector<16xi32>
        %mul3A_90 = arith.muli %iota3A, %mul3A_89 : vector<16xi32>
        %add3A_91 = arith.constant 2 : i32
        %add3A_92 = vector.broadcast %add3A_91 : i32 to vector<16xi32>
        %add3A_93 = arith.addi %mul3A_90, %add3A_92 : vector<16xi32>
        %gather3A_94 = tpu.vector_load_idx %arg12[%add3A_93] : memref<256xf32, #tpu.memory_space<vmem>>[vector<16xi32>], vector<16xf32>,
        %add3A_95 = arith.addf %add3A_87, %gather3A_94 : vector<16xf32>
        %mul3A_96 = arith.constant 16 : i32
        %mul3A_97 = vector.broadcast %mul3A_96 : i32 to vector<16xi32>
        %mul3A_98 = arith.muli %iota3A, %mul3A_97 : vector<16xi32>
        %add3A_99 = arith.constant 3 : i32
        %add3A_100 = vector.broadcast %add3A_99 : i32 to vector<16xi32>
        %add3A_101 = arith.addi %mul3A_98, %add3A_100 : vector<16xi32>
        %gather3A_102 = tpu.vector_load_idx %arg12[%add3A_101] : memref<256xf32, #tpu.memory_space<vmem>>[vector<16xi32>], vector<16xf32>,
        %add3A_103 = arith.addf %add3A_95, %gather3A_102 : vector<16xf32>
        %mul3A_104 = arith.constant 16 : i32
        %mul3A_105 = vector.broadcast %mul3A_104 : i32 to vector<16xi32>
        %mul3A_106 = arith.muli %iota3A, %mul3A_105 : vector<16xi32>
        %add3A_107 = arith.constant 4 : i32
        %add3A_108 = vector.broadcast %add3A_107 : i32 to vector<16xi32>
        %add3A_109 = arith.addi %mul3A_106, %add3A_108 : vector<16xi32>
        %gather3A_110 = tpu.vector_load_idx %arg12[%add3A_109] : memref<256xf32, #tpu.memory_space<vmem>>[vector<16xi32>], vector<16xf32>,
        %add3A_111 = arith.addf %add3A_103, %gather3A_110 : vector<16xf32>
        %mul3A_112 = arith.constant 16 : i32
        %mul3A_113 = vector.broadcast %mul3A_112 : i32 to vector<16xi32>
        %mul3A_114 = arith.muli %iota3A, %mul3A_113 : vector<16xi32>
        %add3A_115 = arith.constant 5 : i32
        %add3A_116 = vector.broadcast %add3A_115 : i32 to vector<16xi32>
        %add3A_117 = arith.addi %mul3A_114, %add3A_116 : vector<16xi32>
        %gather3A_118 = tpu.vector_load_idx %arg12[%add3A_117] : memref<256xf32, #tpu.memory_space<vmem>>[vector<16xi32>], vector<16xf32>,
        %add3A_119 = arith.addf %add3A_111, %gather3A_118 : vector<16xf32>
        %mul3A_120 = arith.constant 16 : i32
        %mul3A_121 = vector.broadcast %mul3A_120 : i32 to vector<16xi32>
        %mul3A_122 = arith.muli %iota3A, %mul3A_121 : vector<16xi32>
        %add3A_123 = arith.constant 6 : i32
        %add3A_124 = vector.broadcast %add3A_123 : i32 to vector<16xi32>
        %add3A_125 = arith.addi %mul3A_122, %add3A_124 : vector<16xi32>
        %gather3A_126 = tpu.vector_load_idx %arg12[%add3A_125] : memref<256xf32, #tpu.memory_space<vmem>>[vector<16xi32>], vector<16xf32>,
        %add3A_127 = arith.addf %add3A_119, %gather3A_126 : vector<16xf32>
        %mul3A_128 = arith.constant 16 : i32
        %mul3A_129 = vector.broadcast %mul3A_128 : i32 to vector<16xi32>
        %mul3A_130 = arith.muli %iota3A, %mul3A_129 : vector<16xi32>
        %add3A_131 = arith.constant 7 : i32
        %add3A_132 = vector.broadcast %add3A_131 : i32 to vector<16xi32>
        %add3A_133 = arith.addi %mul3A_130, %add3A_132 : vector<16xi32>
        %gather3A_134 = tpu.vector_load_idx %arg12[%add3A_133] : memref<256xf32, #tpu.memory_space<vmem>>[vector<16xi32>], vector<16xf32>,
        %add3A_135 = arith.addf %add3A_127, %gather3A_134 : vector<16xf32>
        %mul3A_136 = arith.constant 16 : i32
        %mul3A_137 = vector.broadcast %mul3A_136 : i32 to vector<16xi32>
        %mul3A_138 = arith.muli %iota3A, %mul3A_137 : vector<16xi32>
        %add3A_139 = arith.constant 8 : i32
        %add3A_140 = vector.broadcast %add3A_139 : i32 to vector<16xi32>
        %add3A_141 = arith.addi %mul3A_138, %add3A_140 : vector<16xi32>
        %gather3A_142 = tpu.vector_load_idx %arg12[%add3A_141] : memref<256xf32, #tpu.memory_space<vmem>>[vector<16xi32>], vector<16xf32>,
        %add3A_143 = arith.addf %add3A_135, %gather3A_142 : vector<16xf32>
        %mul3A_144 = arith.constant 16 : i32
        %mul3A_145 = vector.broadcast %mul3A_144 : i32 to vector<16xi32>
        %mul3A_146 = arith.muli %iota3A, %mul3A_145 : vector<16xi32>
        %add3A_147 = arith.constant 9 : i32
        %add3A_148 = vector.broadcast %add3A_147 : i32 to vector<16xi32>
        %add3A_149 = arith.addi %mul3A_146, %add3A_148 : vector<16xi32>
        %gather3A_150 = tpu.vector_load_idx %arg12[%add3A_149] : memref<256xf32, #tpu.memory_space<vmem>>[vector<16xi32>], vector<16xf32>,
        %add3A_151 = arith.addf %add3A_143, %gather3A_150 : vector<16xf32>
        %mul3A_152 = arith.constant 16 : i32
        %mul3A_153 = vector.broadcast %mul3A_152 : i32 to vector<16xi32>
        %mul3A_154 = arith.muli %iota3A, %mul3A_153 : vector<16xi32>
        %add3A_155 = arith.constant 10 : i32
        %add3A_156 = vector.broadcast %add3A_155 : i32 to vector<16xi32>
        %add3A_157 = arith.addi %mul3A_154, %add3A_156 : vector<16xi32>
        %gather3A_158 = tpu.vector_load_idx %arg12[%add3A_157] : memref<256xf32, #tpu.memory_space<vmem>>[vector<16xi32>], vector<16xf32>,
        %add3A_159 = arith.addf %add3A_151, %gather3A_158 : vector<16xf32>
        %mul3A_160 = arith.constant 16 : i32
        %mul3A_161 = vector.broadcast %mul3A_160 : i32 to vector<16xi32>
        %mul3A_162 = arith.muli %iota3A, %mul3A_161 : vector<16xi32>
        %add3A_163 = arith.constant 11 : i32
        %add3A_164 = vector.broadcast %add3A_163 : i32 to vector<16xi32>
        %add3A_165 = arith.addi %mul3A_162, %add3A_164 : vector<16xi32>
        %gather3A_166 = tpu.vector_load_idx %arg12[%add3A_165] : memref<256xf32, #tpu.memory_space<vmem>>[vector<16xi32>], vector<16xf32>,
        %add3A_167 = arith.addf %add3A_159, %gather3A_166 : vector<16xf32>
        %mul3A_168 = arith.constant 16 : i32
        %mul3A_169 = vector.broadcast %mul3A_168 : i32 to vector<16xi32>
        %mul3A_170 = arith.muli %iota3A, %mul3A_169 : vector<16xi32>
        %add3A_171 = arith.constant 12 : i32
        %add3A_172 = vector.broadcast %add3A_171 : i32 to vector<16xi32>
        %add3A_173 = arith.addi %mul3A_170, %add3A_172 : vector<16xi32>
        %gather3A_174 = tpu.vector_load_idx %arg12[%add3A_173] : memref<256xf32, #tpu.memory_space<vmem>>[vector<16xi32>], vector<16xf32>,
        %add3A_175 = arith.addf %add3A_167, %gather3A_174 : vector<16xf32>
        %mul3A_176 = arith.constant 16 : i32
        %mul3A_177 = vector.broadcast %mul3A_176 : i32 to vector<16xi32>
        %mul3A_178 = arith.muli %iota3A, %mul3A_177 : vector<16xi32>
        %add3A_179 = arith.constant 13 : i32
        %add3A_180 = vector.broadcast %add3A_179 : i32 to vector<16xi32>
        %add3A_181 = arith.addi %mul3A_178, %add3A_180 : vector<16xi32>
        %gather3A_182 = tpu.vector_load_idx %arg12[%add3A_181] : memref<256xf32, #tpu.memory_space<vmem>>[vector<16xi32>], vector<16xf32>,
        %add3A_183 = arith.addf %add3A_175, %gather3A_182 : vector<16xf32>
        %mul3A_184 = arith.constant 16 : i32
        %mul3A_185 = vector.broadcast %mul3A_184 : i32 to vector<16xi32>
        %mul3A_186 = arith.muli %iota3A, %mul3A_185 : vector<16xi32>
        %add3A_187 = arith.constant 14 : i32
        %add3A_188 = vector.broadcast %add3A_187 : i32 to vector<16xi32>
        %add3A_189 = arith.addi %mul3A_186, %add3A_188 : vector<16xi32>
        %gather3A_190 = tpu.vector_load_idx %arg12[%add3A_189] : memref<256xf32, #tpu.memory_space<vmem>>[vector<16xi32>], vector<16xf32>,
        %add3A_191 = arith.addf %add3A_183, %gather3A_190 : vector<16xf32>
        %mul3A_192 = arith.constant 16 : i32
        %mul3A_193 = vector.broadcast %mul3A_192 : i32 to vector<16xi32>
        %mul3A_194 = arith.muli %iota3A, %mul3A_193 : vector<16xi32>
        %add3A_195 = arith.constant 15 : i32
        %add3A_196 = vector.broadcast %add3A_195 : i32 to vector<16xi32>
        %add3A_197 = arith.addi %mul3A_194, %add3A_196 : vector<16xi32>
        %gather3A_198 = tpu.vector_load_idx %arg12[%add3A_197] : memref<256xf32, #tpu.memory_space<vmem>>[vector<16xi32>], vector<16xf32>,
        %add3A_199 = arith.addf %add3A_191, %gather3A_198 : vector<16xf32>
        %max3A = arith.constant 9.99999996E-13 : f32
        %max3A_200 = vector.broadcast %max3A : f32 to vector<16xf32>
        %max3A_201 = arith.maximumf %add3A_199, %max3A_200 : vector<16xf32>
        %min3A = arith.constant 9.99999995E+11 : f32
        %min3A_202 = vector.broadcast %min3A : f32 to vector<16xf32>
        %min3A_203 = arith.minimumf %max3A_201, %min3A_202 : vector<16xf32>
        %add3A_204 = arith.addf %scan3A_69, %min3A_203 : vector<16xf32>
        scf.yield %add3A_204 : vector<16xf32>
      }
      %scan3A_67 = arith.constant 2 : i32
      scf.yield %scan3A_66 : vector<16xf32>
    }
    %scan3A_16 = arith.constant 8 : i32
    %swap3A = arith.constant 0 : index
    %swap3A_17 = tpu.vector_load %arg13[%swap3A] {strides = array<i32>} : memref<16xf32, #tpu.memory_space<vmem>>, vector<16xf32>,
    tpu.vector_store %arg13[%swap3A], %scan3A_15 {strides = array<i32>} : memref<16xf32, #tpu.memory_space<vmem>>, vector<16xf32>,
    "tpu.region"() ({
      %run_scoped3A = tpu.sem_alloc : memref<!tpu.dma_semaphore, #tpu.memory_space<semaphore_mem>>
      %dma_start3A_18 = arith.constant 0 : i32
      %dma_start3A_19 = tpu.memref_slice %arg5[%add3A, %dma_start3A_18] : memref<32x16xf32, #tpu.memory_space<hbm>> -> memref<1x16xf32, #tpu.memory_space<hbm>>
      %dma_start3A_20 = tpu.memref_squeeze %dma_start3A_19 : memref<1x16xf32, #tpu.memory_space<hbm>> -> memref<16xf32, #tpu.memory_space<hbm>>
      %dma_start3A_21 = arith.constant 0 : i32
      %dma_start3A_22 = tpu.memref_slice %arg5[%add3A, %dma_start3A_21] : memref<32x16xf32, #tpu.memory_space<hbm>> -> memref<1x16xf32, #tpu.memory_space<hbm>>
      %dma_start3A_23 = tpu.memref_squeeze %dma_start3A_22 : memref<1x16xf32, #tpu.memory_space<hbm>> -> memref<16xf32, #tpu.memory_space<hbm>>
      tpu.enqueue_dma source(%arg13 : memref<16xf32, #tpu.memory_space<vmem>>) target(%dma_start3A_23 : memref<16xf32, #tpu.memory_space<hbm>>) target_semaphore(%run_scoped3A : memref<!tpu.dma_semaphore, #tpu.memory_space<semaphore_mem>>)
      %dma_wait3A = arith.constant 0 : i32
      %dma_wait3A_24 = tpu.memref_slice %arg5[%add3A, %dma_wait3A] : memref<32x16xf32, #tpu.memory_space<hbm>> -> memref<1x16xf32, #tpu.memory_space<hbm>>
      %dma_wait3A_25 = tpu.memref_squeeze %dma_wait3A_24 : memref<1x16xf32, #tpu.memory_space<hbm>> -> memref<16xf32, #tpu.memory_space<hbm>>
      %dma_wait3A_26 = arith.constant 0 : i32
      %dma_wait3A_27 = tpu.memref_slice %arg5[%add3A, %dma_wait3A_26] : memref<32x16xf32, #tpu.memory_space<hbm>> -> memref<1x16xf32, #tpu.memory_space<hbm>>
      %dma_wait3A_28 = tpu.memref_squeeze %dma_wait3A_27 : memref<1x16xf32, #tpu.memory_space<hbm>> -> memref<16xf32, #tpu.memory_space<hbm>>
      tpu.wait_dma2 semaphore(%run_scoped3A : memref<!tpu.dma_semaphore, #tpu.memory_space<semaphore_mem>>) src(%arg13 : memref<16xf32, #tpu.memory_space<vmem>>) dst(%dma_wait3A_28 : memref<16xf32, #tpu.memory_space<hbm>>)
      tpu.yield
    }) : () -> ()
    return
  }
}

module attributes {stable_mosaic.version = 14 : i64} {
  func.func @_reduce_tc_body(%arg0: memref<32x16xf32, #tpu.memory_space<vmem>>, %arg1: memref<1x1xf32, #tpu.memory_space<smem>>) attributes {dimension_semantics = [], scalar_prefetch = 0 : i64, scratch_operands = 0 : i64, tpu.core_type = #tpu.core_type<tc>} {
    %get3A = arith.constant 0 : index
    %get3A_0 = arith.constant 0 : index
    %get3A_1 = vector.load %arg0[%get3A, %get3A_0] : memref<32x16xf32, #tpu.memory_space<vmem>>, vector<32x16xf32>
    %reduce_sum3A = vector.shape_cast %get3A_1 : vector<32x16xf32> to vector<1x32x16xf32>
    %reduce_sum3A_2 = arith.constant dense<0.000000e+00> : vector<1xf32>
    %reduce_sum3A_3 = vector.multi_reduction <add>, %reduce_sum3A, %reduce_sum3A_2 [1, 2] : vector<1x32x16xf32> to vector<1xf32>
    %reduce_sum3A_4 = vector.shape_cast %reduce_sum3A_3 : vector<1xf32> to vector<1x1x1xf32>
    %reduce_sum3A_5 = vector.extract %reduce_sum3A_4[0, 0, 0] : f32 from vector<1x1x1xf32>
    %mul3A = arith.constant 6.10351563E-5 : f32
    %mul3A_6 = arith.mulf %reduce_sum3A_5, %mul3A : f32
    %swap3A = arith.constant 0 : index
    %swap3A_7 = arith.constant 0 : index
    %swap3A_8 = memref.load %arg1[%swap3A, %swap3A_7] : memref<1x1xf32, #tpu.memory_space<smem>>
    memref.store %mul3A_6, %arg1[%swap3A, %swap3A_7] : memref<1x1xf32, #tpu.memory_space<smem>>
    return
  }
}

</mosaic_0001>

<sc_bundles>
// kernel: kernel.4.cloned.1.call-start
scs
__scs_entry_jumppad:
0x0: {  	(pc) =	sbr.rel $0x88, $3  }
0x1: {  	(tag) =	ssettag $0x0;
	lr =	simm.s32 $0x1  }
0x2: {  	[smem:$0x3F9E] =	sst lr;
	_ =	strace $0xD0000000  }
0x3: {  	_ = 	snop  }
0x4: {  	_ = 	snop  }
0x5: {  	_ = 	snop  }
0x6: {  	_ = 	snop  }
0x7: {  	_ = 	snop  }
__scs_overlays_trampoline_lowered:
0x8: {  	[smem:$0x3FAD] =	sst s0  }
0x9: {  	[smem:$0x3FAE] =	sst s1  }
0xa: {  	[smem:$0x3FAF] =	sst s2  }
0xb: {  	[smem:$0x3FB0] =	sst s3  }
0xc: {  	[smem:$0x3FB1] =	sst s4  }
0xd: {  	[smem:$0x3FB2] =	sst s5  }
0xe: {  	[smem:$0x3FB3] =	sst s6  }
0xf: {  	[smem:$0x3FB4] =	sst s7  }
0x10: {  	[smem:$0x3FB5] =	sst s8  }
0x11: {  	[smem:$0x3FB6] =	sst s9;
	s0 =	simm.s32 @!p0 $0x0  }
0x12: {  	s1 =	sld [smem:$0x3F9C];
	s0 =	simm.s32 @p0 $0x1  }
0x13: {  	[smem:$0x3FB7] =	sst s0;
	s0 =	simm.s32 @!p1 $0x0  }
0x14: {  	s2 =	sld [smem:$0x3F9B];
	s0 =	simm.s32 @p1 $0x1  }
0x15: {  	[smem:$0x3FB8] =	sst s0;
	s0 =	simm.s32 @!p2 $0x0  }
0x16: {  	s3 =	sld [smem:$0x3FDB];
	s0 =	simm.s32 @p2 $0x1  }
0x17: {  	s4 =	simm.s32 $0x1BF5;
	[smem:$0x3FBA] =	sst s0  }
0x18: {  	s0 =	sld [smem:$0x3F9D];
	_ =	swait.ge [sflag:s4], $0x0  }
0x19: {  	s7 =	sld [smem:$0x3F9E]  }
0x1a: {  	s8 =	sadd.s32 $0xFFFFE003, lr  }
0x1b: {  	s9 =	sadd.s32 $0xFFFFFEF7, lr;
	s5 =	simm.s32 $0xFFFFFFFF;
	p2 =	slt.u32 s8, $0xFFFFF086  }
0x1c: {  	p1 =	slt.u32 s9, $0xF7A;
	s5 =	simm.s32 @!p2 $0x0  }
0x1d: {  	s5 =	simm.s32 @p1 $0x1;
	p0 =	seq.s32 s7, s2  }
0x1e: {  	s7 =	smul.u32 @!p0 $0xF7A, s2;
	p2 =	seq.s32 @!p0 s5, $0x0  }
0x1f: {  	s9 =	smul.u32 $0xF7A, s1;
	s8 =	simm.s32 @!p0 $0x1BF5;
	p2 =	por !p2, p0  }
0x20: {  	[sflag:s8] =	ssyncset.s32 @!p0 $0xFFFFF086;
	s6 =	sadd.s32 @!p0 s3, s7;
	s7 =	simm.s32 @!p0 $0x108  }
0x21: {  	s3 =	sadd.s32 s3, s9;
	s6 =	sadd.s32 @!p0 $0x88, s6;
	s7 =	simm.s32 @p2 $0x1082  }
0x22: {  	[simem:s7], [sflag:s8] =	dma.local @!p0 [hbm:s6], $0xF7A  }
0x23: {  	s9 =	sor.u32 $0xD0000000, s2;
	s6 =	simm.s32 $0x108;
	_ =	swait.ge @!p0 [sflag:s8], $0x0  }
0x24: {  	s3 =	sadd.s32 $0x88, s3;
	s6 =	simm.s32 @!p1 $0x1082;
	[sflag:s4] =	ssyncset.s32 $0xFFFFF086  }
0x25: {  	[simem:s6], [sflag:s4] =	dma.local [hbm:s3], $0xF7A  }
0x26: {  	[smem:$0x3F9E] =	sst s1;
	(tag) =	ssettag s2;
	_ =	strace s9  }
0x27: {  	s1 =	sld [smem:$0x3FAE]  }
0x28: {  	s2 =	sld [smem:$0x3FAF]  }
0x29: {  	s4 =	sld [smem:$0x3FB1]  }
0x2a: {  	p0 =	seq.s32 s5, $0x0;
	s5 =	sld [smem:$0x3FB2]  }
0x2b: {  	s6 =	sld [smem:$0x3FB3]  }
0x2c: {  	s7 =	sld [smem:$0x3FB4]  }
0x2d: {  	s3 =	simm.s32 $0x108;
	s8 =	sld [smem:$0x3FB5]  }
0x2e: {  	s3 =	simm.s32 @!p0 $0x1082;
	s9 =	sld [smem:$0x3FB6]  }
0x2f: {  	lr =	sadd.s32 s0, s3;
	s0 =	sld [smem:$0x3FAD]  }
0x30: {  	s3 =	sld [smem:$0x3FB0]  }
0x31: {  	[smem:$0x3FB9] =	sst s10  }
0x32: {  	s10 =	sld [smem:$0x3FB7];
	_ =	sdelay $0x3  }
0x33: {  	p0 =	seq.s32 s10, $0x1;
	s10 =	sld [smem:$0x3FB9];
	_ =	sdelay $0x3  }
0x34: {  	[smem:$0x3FB9] =	sst s10  }
0x35: {  	s10 =	sld [smem:$0x3FB8];
	_ =	sdelay $0x3  }
0x36: {  	p1 =	seq.s32 s10, $0x1;
	s10 =	sld [smem:$0x3FB9];
	_ =	sdelay $0x3  }
0x37: {  	[smem:$0x3FB9] =	sst s10  }
0x38: {  	s10 =	sld [smem:$0x3FBA]  }
0x39: {  	_ = 	snop;
	(pc) =	sbr.ind lr, $3  }
0x3a: {  	_ = 	snop  }
0x3b: {  	_ = 	snop  }
0x3c: {  	p2 =	seq.s32 s10, $0x1;
	s10 =	sld [smem:$0x3FB9]  }
0x3d: {  	_ =	shalt  }
0x3e: {  	_ =	shalt  }
0x3f: {  	_ =	shalt  }
0x40: {  	_ =	shalt  }
0x41: {  	_ =	shalt  }
0x42: {  	_ =	shalt  }
0x43: {  	_ =	shalt  }
0x44: {  	_ =	shalt  }
0x45: {  	_ =	shalt  }
0x46: {  	_ =	shalt  }
0x47: {  	_ =	shalt  }
0x48: {  	_ =	shalt  }
0x49: {  	_ =	shalt  }
0x4a: {  	_ =	shalt  }
0x4b: {  	_ =	shalt  }
0x4c: {  	_ =	shalt  }
0x4d: {  	_ =	shalt  }
0x4e: {  	_ =	shalt  }
0x4f: {  	_ =	shalt  }
0x50: {  	_ =	shalt  }
0x51: {  	_ =	shalt  }
0x52: {  	_ =	shalt  }
0x53: {  	_ =	shalt  }
0x54: {  	_ =	shalt  }
0x55: {  	_ =	shalt  }
0x56: {  	_ =	shalt  }
0x57: {  	_ =	shalt  }
0x58: {  	_ =	shalt  }
0x59: {  	_ =	shalt  }
0x5a: {  	_ =	shalt  }
0x5b: {  	_ =	shalt  }
0x5c: {  	_ =	shalt  }
0x5d: {  	_ =	shalt  }
0x5e: {  	_ =	shalt  }
0x5f: {  	_ =	shalt  }
0x60: {  	_ =	shalt  }
0x61: {  	_ =	shalt  }
0x62: {  	_ =	shalt  }
0x63: {  	_ =	shalt  }
0x64: {  	_ =	shalt  }
0x65: {  	_ =	shalt  }
0x66: {  	_ =	shalt  }
0x67: {  	_ =	shalt  }
0x68: {  	_ =	shalt  }
0x69: {  	_ =	shalt  }
0x6a: {  	_ =	shalt  }
0x6b: {  	_ =	shalt  }
0x6c: {  	_ =	shalt  }
0x6d: {  	_ =	shalt  }
0x6e: {  	_ =	shalt  }
0x6f: {  	_ =	shalt  }
0x70: {  	_ =	shalt  }
0x71: {  	_ =	shalt  }
0x72: {  	_ =	shalt  }
0x73: {  	_ =	shalt  }
0x74: {  	_ =	shalt  }
0x75: {  	_ =	shalt  }
0x76: {  	_ =	shalt  }
0x77: {  	_ =	shalt  }
0x78: {  	_ =	shalt  }
0x79: {  	_ =	shalt  }
0x7a: {  	_ =	shalt  }
0x7b: {  	_ =	shalt  }
0x7c: {  	_ =	shalt  }
0x7d: {  	_ =	shalt  }
0x7e: {  	_ =	shalt  }
0x7f: {  	_ =	shalt  }
0x80: {  	_ =	shalt  }
0x81: {  	_ =	shalt  }
0x82: {  	_ =	shalt  }
0x83: {  	_ =	shalt  }
0x84: {  	_ =	shalt  }
0x85: {  	_ =	shalt  }
0x86: {  	_ =	shalt  }
0x87: {  	_ =	shalt  }
.Lfunc_end0:
.L_simem_size_0:
called_computation_lowered:
.L_overlay_start_0:
0x88: {  	s2 =	sld [smem:$0x3FD9]  }
0x89: {  	s3 =	sld [smem:$0x3FFE];
	_ =	sdelay $0x1  }
0x8a: {  	s1 =	srdreg.scid  }
0x8b: {  	s0 =	sand.u32 $0x1, s1  }
0x8c: {  	s17 =	sshll.u32 s0, $0xA;
	s2 =	sadd.s32 s3, s2  }
0x8d: {  	s2 =	sadd.s32 s2, s17  }
0x8e: {  	[smem:$0x3FC5] =	sst s2  }
0x8f: {  	_ = 	snop  }
0x90: {  	s2 =	sld [smem:$0x3FC9]  }
0x91: {  	s18 =	sld [smem:$0x3FC8]  }
0x92: {  	s4 =	sld [smem:$0x3FC7];
	(tm) =	ssettm $0x1  }
0x93: {  	s5 =	sld [smem:$0x3FFB];
	_ =	sdelay $0x3  }
0x94: {  	_ =	strace s5  }
0x95: {  	s5 =	sld [smem:$0x3FFC];
	_ =	sdelay $0x3  }
0x96: {  	_ =	strace s5  }
0x97: {  	s5 =	sld [smem:$0x3FFD];
	_ =	sdelay $0x3  }
0x98: {  	_ =	strace s5  }
0x99: {  	_ =	strace $0x8FFFFFFF  }
0x9a: {  	s19 =	sld [smem:$0x3FDB];
	_ =	sdelay $0x1  }
0x9b: {  	s6 =	simm.s32 $_scs_section_size  }
0x9c: {  	s7 =	simm.s32 $_size__tile_overlayer_lowered;
	s8 =	simm.s32 $_tile_overlayer_lowered  }
0x9d: {  	s22 =	simm.s32 $0x1BFF;
	s21 =	sshll.u32 s8, $0x1;
	s5 =	sadd.s32 s6, s19  }
0x9e: {  	s9 =	simm.s32 $0x0;
	s20 =	sshll.u32 s7, $0x1;
	s7 =	sadd.s32 s21, s5  }
0x9f: {  	[timem:s9], [sflag:s22] =	dma.local [hbm:s7], s20  }
0xa0: {  	_ =	swait.ge [sflag:s22], s20  }
0xa1: {  	s6 =	ssub.s32 $0x0, s20;
	[sflag:s22] =	ssyncset.done $0x0  }
0xa2: {  	[sflag:s22] =	ssyncadd.s32 s6;
	_ =	sdelay $0x1  }
0xa3: {  	s23 =	simm.s32 $0x1B8B  }
0xa4: {  	_ =	swait.ge [sflag:s23], $0x1  }
0xa5: {  	[sflag:s23] =	ssyncset.done $0x0  }
0xa6: {  	s25 =	simm.s32 $0x1B8E;
	s24 =	sld [smem:$0x3FFE];
	[sflag:s23] =	ssyncadd.s32 $0xFFFFFFFF  }
0xa7: {  	s26 =	simm.s32 $execute0_lowered;
	[smem:$0x3FD2] =	sst s25  }
0xa8: {  	s7 =	sshll.u32 s26, $0x1;
	_ =	strace $0x80000046;
	[dreg:$0x1] =	wrdreg $0xFFFFFFFF  }
0xa9: {  	s28 =	simm.s32 $_size_execute0_lowered;
	s5 =	sadd.s32 s5, s7;
	[dreg:$0x0] =	wrdreg $0x0  }
0xaa: {  	s7 =	sshll.u32 s28, $0x1;
	[dreg:$0x2] =	wrdreg s5  }
0xab: {  	[dreg:$0x3] =	wrdreg s7  }
0xac: {  	[dreg:$0x4] =	wrdreg $0xC0  }
0xad: {  	_ =	task [dreg:s9], $0x5FFFF  }
0xae: {  	[dreg:$0x1] =	wrdreg $0xFFFFFFFF  }
0xaf: {  	[dreg:$0x0] =	wrdreg $0x60  }
0xb0: {  	[dreg:$0x2] =	wrdreg s2  }
0xb1: {  	[dreg:$0x3] =	wrdreg s18  }
0xb2: {  	[dreg:$0x4] =	wrdreg s4  }
0xb3: {  	[dreg:$0x5] =	wrdreg s24  }
0xb4: {  	[dreg:$0x6] =	wrdreg $0x9  }
0xb5: {  	_ =	task.clear_ibuf [dreg:s9], $0x7FFFF;
	_ =	strace $0x90000046  }
0xb6: {  	s29 =	simm.s32 $0x9;
	_ =	strace $0x80000048  }
0xb7: {  	_ =	swait.ge [sflag:s29], $0x1  }
0xb8: {  	[sflag:s29] =	ssyncadd.s32 $0xFFFFFFFF  }
0xb9: {  	_ =	strace $0x90000048  }
0xba: {  	_ =	sfence  }
0xbb: {  	s30 =	sld [smem:$0x0];
	_ =	sdelay $0x2  }
0xbc: {  	s31 =	sshll.u32 s1, $0xD;
	s1 =	sshrl.u32 s1, $0x2  }
0xbd: {  	s3 =	sand.u32 $0x4000, s31;
	s1 =	sadd.s32 s1, s30  }
0xbe: {  	s0 =	sor.u32 s3, s0;
	s1 =	sshll.u32 s1, $0x11  }
0xbf: {  	s0 =	sor.u32 s1, s0  }
0xc0: {  	s0 =	sadd.s32 $0x8F2B, s0  }
0xc1: {  	[sflag:s0] =	ssyncadd.remote.s32 $0x1  }
0xc2: {  	_ =	sfence.sel $0xFFFF  }
0xc3: {  	[dreg:$0x0] =	wrdreg $0xFFFFFFFF;
	(pc) =	sbr.abs _section_cstart, $3  }
0xc4: {  	[dreg:$0x1] =	wrdreg $0xFFFFFFFF  }
0xc5: {  	_ =	task.clear_ibuf [dreg:s9], $0x2FFFF;
	_ =	strace $0x9FFFFFFF  }
0xc6: {  	(tm) =	ssettm $0x7FFFFFFF  }
0xc7: {  	_ =	shalt  }
tec
execute0_lowered:
.L_overlay_start_1:
0x0: {  	(tag) =	ssettag $0x1  }
0x1: {  	s1 =	rddreg [dreg:$0x0]  }
0x2: {  	s2 =	rddreg [dreg:$0x1]  }
0x3: {  	s3 =	rddreg [dreg:$0x2]  }
0x4: {  	s0 =	rddreg [dreg:$0x3]  }
0x5: {  	s10 =	simm.s32 $0x0;
	s4 =	srdreg.scid;
	s5 =	stileid.u32  }
0x6: {  	s14 =	simm.s32 $0x5;
	s28 =	simm.s32 $0xD100;
	s29 =	simm.s32 $0xD900  }
0x7: {  	s30 =	simm.s32 $0xE100;
	s31 =	simm.s32 $0xE900;
	s13 =	simm.s32 $0x1  }
0x8: {  	s15 =	simm.s32 $0x3;
	s16 =	simm.s32 $0x10100;
	s17 =	simm.s32 $0x2  }
0x9: {  	s18 =	simm.s32 $0x4;
	s20 =	simm.s32 $0x0;
	[smem:$0x7FF] =	sst s10  }
0xa: {  	s4 =	sand.u32 $0x1, s4;
	s6 =	sshll.u32 s5, $0x4;
	_ =	strace $0x80000047  }
0xb: {  	s7 =	ssub.s32 $0x2, s4;
	s4 =	sshll.u32 s4, $0x4;
	s6 =	sand.u32 $0x70, s6  }
0xc: {  	s8 =	sshrl.u32 s7, $0x1;
	s4 =	sor.u32 s5, s4;
	s0 =	sadd.s32 s6, s0  }
0xd: {  	v3 =	vlaneseq.u32;
	s21 =	ssub.s32 s7, s8;
	s22 =	sshll.u32 s4, $0x9;
	s23 =	sshll.u32 s4, $0xF  }
0xe: {  	vm0 =	vmmov $0xffff;
	v2 =	vshrl.u32 v3, $0x3;
	v1 =	vmul.u32 $0x10, v3;
	s9 =	sshll.u32 s4, $0x6;
	s4 =	sshll.u32 s4, $0x4;
	s8 =	sadd.s32 $0x100, s3  }
0xf: {  	v0 =	vand.u32 $0x7, v3;
	v3 =	vor.u32 $0x8, v3;
	v2 =	vmul.u32 $0x8, v2;
	s24 =	sadd.s32 s1, s23;
	s25 =	sadd.s32 s2, s9;
	s4 =	sand.u32 $0x180, s4  }
0x10: {  	v4 =	vor.u32 $0x1, v1;
	v5 =	vor.u32 $0x2, v1;
	v6 =	vor.u32 $0x3, v1;
	s9 =	sor.u32 $0x40, s22;
	s26 =	smax.u32 s21, $0x1;
	[dreg:$0x5] =	wrdreg s24  }
0x11: {  	v7 =	vor.u32 $0x4, v1;
	v8 =	vor.u32 $0x5, v1;
	v9 =	vor.u32 $0x6, v1;
	s12 =	sor.u32 $0x20, s22;
	s23 =	simm.s32 $0x4100;
	[dreg:$0x6] =	wrdreg s25  }
0x12: {  	v10 =	vor.u32 $0x7, v1;
	v11 =	vor.u32 $0x8, v1;
	v12 =	vor.u32 $0x9, v1;
	s0 =	sadd.s32 s4, s0;
	[dreg:$0x8] =	wrdreg s26;
	s24 =	simm.s32 $0x80  }
0x13: {  	v13 =	vor.u32 $0xA, v1;
	v14 =	vor.u32 $0xB, v1;
	v15 =	vor.u32 $0xC, v1;
	s25 =	simm.s32 $0xC100;
	s26 =	simm.s32 $0xC900;
	s0 =	sadd.s32 $0x600, s0  }
0x14: {  	v16 =	vor.u32 $0xD, v1;
	v17 =	vor.u32 $0xE, v1;
	v18 =	vor.u32 $0xF, v1;
	s4 =	simm.s32 $0xF900;
	[dreg:$0x7] =	wrdreg s0;
	s0 =	simm.s32 $0xF100  }
.LBB2_1:
0x15: {  	s5 =	rddreg [dreg:$0x5];
	s6 =	simm.s32 $0x100  }
0x16: {  	[tilespmem:s6], [sflag:$0x1] =	stream.linear.gather [hbm4b:s5+s10], $0x4000, $0x38;
	[tilespmem:$0x10280] =	vst v63  }
0x17: {  	s19 =	rddreg [dreg:$0x6]  }
0x18: {  	[tilespmem:s10], [sflag:$0x5] =	stream.linear.gather [hbm4b:s19+s10], $0x20, $0x38;
	[tilespmem:$0x10280] =	vst v63  }
0x19: {  	_ =	swait.ge [sflag:s14], $0x20  }
0x1a: {  	[sflag:s14] =	ssyncset.done $0x0  }
0x1b: {  	[sflag:s14] =	ssyncadd.s32 $0xFFFFFFE0  }
0x1c: {  	v19 =	vld [tilespmem:$0x0];
	_ =	sdelay $0x4  }
0x1d: {  	v20 =	vshll.u32 v19, $0x2  }
0x1e: {  	v19 =	vand.u32 $0x7, v19;
	v20 =	vand.u32 $0xFFFFFFE0, v20  }
0x1f: {  	v19 =	vor.u32 v19, v20  }
0x20: {  	v20 =	vperm.xlane v19, v0;
	_ =	sdelay $0x1  }
0x21: {  	v20 =	vadd.s32 v2, v20;
	_ =	sdelay $0x1  }
0x22: {  	v19 =	vperm.xlane v19, v3;
	_ =	sdelay $0x1  }
0x23: {  	s21 =	simm.s32 $0x8100;
	v19 =	vadd.s32 v2, v19  }
0x24: {  	[tilespmem:s21], [sflag:$0x3] =	stream.indirect_vreg.gather [hbm4b:s3+s10], $0x80, v20, vm0, $0xb8;
	[tilespmem:$0x10280] =	vst v63  }
0x25: {  	s22 =	simm.s32 $0x8900  }
0x26: {  	[tilespmem:s22], [sflag:$0x3] =	stream.indirect_vreg.gather [hbm4b:s8+s10], $0x80, v20, vm0, $0xb8;
	[tilespmem:$0x10280] =	vst v63  }
0x27: {  	s6 =	simm.s32 $0x9100  }
0x28: {  	[tilespmem:s6], [sflag:$0x3] =	stream.indirect_vreg.gather [hbm4b:s3+s10], $0x80, v19, vm0, $0xb8;
	[tilespmem:$0x10280] =	vst v63  }
0x29: {  	s7 =	simm.s32 $0x9900  }
0x2a: {  	[tilespmem:s7], [sflag:$0x3] =	stream.indirect_vreg.gather [hbm4b:s8+s10], $0x80, v19, vm0, $0xb8;
	[tilespmem:$0x10280] =	vst v63  }
0x2b: {  	v19 =	vld [tilespmem:$0x10];
	_ =	sdelay $0x4  }
0x2c: {  	v20 =	vshll.u32 v19, $0x2  }
0x2d: {  	v19 =	vand.u32 $0x7, v19;
	v20 =	vand.u32 $0xFFFFFFE0, v20  }
0x2e: {  	v19 =	vor.u32 v19, v20  }
0x2f: {  	v20 =	vperm.xlane v19, v0;
	_ =	sdelay $0x1  }
0x30: {  	v20 =	vadd.s32 v2, v20;
	_ =	sdelay $0x1  }
0x31: {  	v19 =	vperm.xlane v19, v3;
	_ =	sdelay $0x1  }
0x32: {  	s11 =	simm.s32 $0xA100;
	v19 =	vadd.s32 v2, v19  }
0x33: {  	[tilespmem:s11], [sflag:$0x3] =	stream.indirect_vreg.gather [hbm4b:s3+s10], $0x80, v20, vm0, $0xb8;
	[tilespmem:$0x10280] =	vst v63  }
0x34: {  	s19 =	simm.s32 $0xA900  }
0x35: {  	[tilespmem:s19], [sflag:$0x3] =	stream.indirect_vreg.gather [hbm4b:s8+s10], $0x80, v20, vm0, $0xb8;
	[tilespmem:$0x10280] =	vst v63  }
0x36: {  	s21 =	simm.s32 $0xB100  }
0x37: {  	[tilespmem:s21], [sflag:$0x3] =	stream.indirect_vreg.gather [hbm4b:s3+s10], $0x80, v19, vm0, $0xb8;
	[tilespmem:$0x10280] =	vst v63  }
0x38: {  	s22 =	simm.s32 $0xB900;
	s21 =	simm.s32 $0x0  }
0x39: {  	[tilespmem:s22], [sflag:$0x3] =	stream.indirect_vreg.gather [hbm4b:s8+s10], $0x80, v19, vm0, $0xb8;
	v19 =	vimm.f32 $0.0e+00;
	[tilespmem:$0x10280] =	vst v63  }
.LBB2_2:
0x3a: {  	s22 =	sshll.u32 s21, $0x6  }
0x3b: {  	s6 =	sor.u32 s12, s22  }
0x3c: {  	s7 =	sshll.u32 s6, $0x6  }
0x3d: {  	s19 =	simm.s32 $0x0;
	s6 =	sshrl.u32 s6, $0x3;
	s7 =	sadd.s32 s1, s7  }
0x3e: {  	[tilespmem:s23], [sflag:$0x2] =	stream.linear.gather [hbm4b:s7+s19], $0x4000, $0x38;
	[tilespmem:$0x10280] =	vst v63  }
0x3f: {  	s6 =	sadd.s32 s2, s6  }
0x40: {  	[tilespmem:s24], [sflag:$0x5] =	stream.linear.gather [hbm4b:s6+s19], $0x20, $0x38;
	[tilespmem:$0x10280] =	vst v63  }
0x41: {  	_ =	swait.ge [sflag:s14], $0x20  }
0x42: {  	[sflag:s14] =	ssyncset.done $0x0  }
0x43: {  	[sflag:s14] =	ssyncadd.s32 $0xFFFFFFE0  }
0x44: {  	v20 =	vld [tilespmem:$0x80];
	_ =	sdelay $0x4  }
0x45: {  	v21 =	vshll.u32 v20, $0x2  }
0x46: {  	v20 =	vand.u32 $0x7, v20;
	v21 =	vand.u32 $0xFFFFFFE0, v21  }
0x47: {  	v20 =	vor.u32 v20, v21  }
0x48: {  	v21 =	vperm.xlane v20, v0;
	_ =	sdelay $0x1  }
0x49: {  	v21 =	vadd.s32 v2, v21;
	_ =	sdelay $0x1  }
0x4a: {  	v20 =	vperm.xlane v20, v3;
	_ =	sdelay $0x1  }
0x4b: {  	v20 =	vadd.s32 v2, v20  }
0x4c: {  	[tilespmem:s25], [sflag:$0x4] =	stream.indirect_vreg.gather [hbm4b:s3+s19], $0x80, v21, vm0, $0xb8;
	[tilespmem:$0x10280] =	vst v63  }
0x4d: {  	_ = 	snop  }
0x4e: {  	[tilespmem:s26], [sflag:$0x4] =	stream.indirect_vreg.gather [hbm4b:s8+s19], $0x80, v21, vm0, $0xb8;
	[tilespmem:$0x10280] =	vst v63  }
0x4f: {  	_ = 	snop  }
0x50: {  	[tilespmem:s28], [sflag:$0x4] =	stream.indirect_vreg.gather [hbm4b:s3+s19], $0x80, v20, vm0, $0xb8;
	[tilespmem:$0x10280] =	vst v63  }
0x51: {  	_ = 	snop  }
0x52: {  	[tilespmem:s29], [sflag:$0x4] =	stream.indirect_vreg.gather [hbm4b:s8+s19], $0x80, v20, vm0, $0xb8;
	[tilespmem:$0x10280] =	vst v63  }
0x53: {  	v20 =	vld [tilespmem:$0x90];
	_ =	sdelay $0x4  }
0x54: {  	v63 =	vshll.u32 v20, $0x2  }
0x55: {  	v20 =	vand.u32 $0x7, v20;
	v21 =	vand.u32 $0xFFFFFFE0, v63  }
0x56: {  	v20 =	vor.u32 v20, v21  }
0x57: {  	v21 =	vperm.xlane v20, v0;
	_ =	sdelay $0x1  }
0x58: {  	v21 =	vadd.s32 v2, v21;
	_ =	sdelay $0x1  }
0x59: {  	v20 =	vperm.xlane v20, v3;
	_ =	sdelay $0x1  }
0x5a: {  	v20 =	vadd.s32 v2, v20  }
0x5b: {  	[tilespmem:s30], [sflag:$0x4] =	stream.indirect_vreg.gather [hbm4b:s3+s19], $0x80, v21, vm0, $0xb8;
	[tilespmem:$0x10280] =	vst v63  }
0x5c: {  	_ = 	snop  }
0x5d: {  	[tilespmem:s31], [sflag:$0x4] =	stream.indirect_vreg.gather [hbm4b:s8+s19], $0x80, v21, vm0, $0xb8;
	[tilespmem:$0x10280] =	vst v63  }
0x5e: {  	_ = 	snop  }
0x5f: {  	[tilespmem:s0], [sflag:$0x4] =	stream.indirect_vreg.gather [hbm4b:s3+s19], $0x80, v20, vm0, $0xb8;
	[tilespmem:$0x10280] =	vst v63  }
0x60: {  	_ = 	snop  }
0x61: {  	[tilespmem:s4], [sflag:$0x4] =	stream.indirect_vreg.gather [hbm4b:s8+s19], $0x80, v20, vm0, $0xb8;
	[tilespmem:$0x10280] =	vst v63  }
0x62: {  	_ =	swait.ge [sflag:s13], $0x4000  }
0x63: {  	[sflag:s13] =	ssyncset.done $0x0  }
0x64: {  	[sflag:s13] =	ssyncadd.s32 $0xFFFFC000  }
0x65: {  	_ =	swait.ge [sflag:s15], $0x4000  }
0x66: {  	[sflag:s15] =	ssyncset.done $0x0  }
0x67: {  	p1 =	por $0x1, $0x1;
	[sflag:s15] =	ssyncadd.s32 $0xFFFFC000  }
.LBB2_3:
0x68: {  	p0 =	por p1, p1;
	s6 =	simm.s32 $0x0  }
.LBB2_4:
0x69: {  	s7 =	sshll.u32 s6, $0x9  }
0x6a: {  	s10 =	sshll.u32 s6, $0x7;
	s7 =	sand.u32 $0x1000, s7  }
0x6b: {  	s10 =	sand.u32 $0x380, s10;
	s7 =	sor.u32 s19, s7  }
0x6c: {  	v20 =	vimm.f32 $0.0e+00;
	s7 =	sor.u32 s7, s10  }
0x6d: {  	s11 =	simm.s32 $0x0;
	p1 =	por $0x1, $0x1;
	v21 =	vimm.f32 $0.0e+00;
	v22 =	vimm.f32 $0.0e+00;
	v23 =	vimm.f32 $0.0e+00;
	s10 =	sor.u32 $0x400, s7  }
.LBB2_5:
0x6e: {  	s5 =	sor.u32 s7, s11  }
0x6f: {  	v24 =	vld [tilespmem:s5+$0x100]  }
0x70: {  	v25 =	vld [tilespmem:s5+$0x8100]  }
0x71: {  	v26 =	vld [tilespmem:s5+$0x110]  }
0x72: {  	v27 =	vld [tilespmem:s5+$0x8110]  }
0x73: {  	v28 =	vld [tilespmem:s5+$0x120]  }
0x74: {  	v29 =	vld [tilespmem:s5+$0x8120]  }
0x75: {  	v30 =	vld [tilespmem:s5+$0x130]  }
0x76: {  	v31 =	vld [tilespmem:s5+$0x8130]  }
0x77: {  	v32 =	vld [tilespmem:s5+$0x140]  }
0x78: {  	v33 =	vld [tilespmem:s5+$0x8140]  }
0x79: {  	v34 =	vld [tilespmem:s5+$0x150]  }
0x7a: {  	v35 =	vld [tilespmem:s5+$0x8150]  }
0x7b: {  	v36 =	vld [tilespmem:s5+$0x160]  }
0x7c: {  	v37 =	vld [tilespmem:s5+$0x8160]  }
0x7d: {  	v38 =	vld [tilespmem:s5+$0x170]  }
0x7e: {  	s11 =	sor.u32 s10, s11;
	v39 =	vld [tilespmem:s5+$0x8170]  }
0x7f: {  	v40 =	vld [tilespmem:s11+$0x100]  }
0x80: {  	v41 =	vld [tilespmem:s11+$0x8100]  }
0x81: {  	v42 =	vld [tilespmem:s11+$0x110]  }
0x82: {  	v43 =	vld [tilespmem:s11+$0x8110]  }
0x83: {  	v44 =	vld [tilespmem:s11+$0x120]  }
0x84: {  	v61 =	vld [tilespmem:s11+$0x130]  }
0x85: {  	v62 =	vld [tilespmem:s11+$0x8130]  }
0x86: {  	v63 =	vld [tilespmem:s11+$0x140]  }
0x87: {  	v52 =	vld [tilespmem:s11+$0x160];
	v24 =	vsub.f32 v24, v25;
	v58 =	vsub.f32 v26, v27  }
0x88: {  	v54 =	vld [tilespmem:s11+$0x8160];
	v59 =	vsub.f32 v28, v29;
	v60 =	vsub.f32 v30, v31  }
0x89: {  	v45 =	vld [tilespmem:s11+$0x8140];
	v47 =	vsub.f32 v32, v33;
	v48 =	vsub.f32 v34, v35  }
0x8a: {  	v46 =	vld [tilespmem:s11+$0x150];
	v50 =	vsub.f32 v36, v37;
	v51 =	vsub.f32 v38, v39  }
0x8b: {  	v49 =	vld [tilespmem:s11+$0x8150];
	v53 =	vsub.f32 v40, v41;
	v24 =	vmul.f32 v24, v24;
	v25 =	vmul.f32 v58, v58  }
0x8c: {  	v26 =	vld [tilespmem:s11+$0x8120];
	v55 =	vsub.f32 v42, v43;
	v27 =	vmul.f32 v59, v59;
	v28 =	vmul.f32 v60, v60  }
0x8d: {  	v33 =	vmul.f32 v50, v50;
	v60 =	vsub.f32 v61, v62;
	v61 =	vsub.f32 v52, v54  }
0x8e: {  	v56 =	vld [tilespmem:s11+$0x170];
	v34 =	vmul.f32 v51, v51;
	v23 =	vadd.f32 v24, v23;
	v22 =	vadd.f32 v25, v22  }
0x8f: {  	v57 =	vmul.f32 v53, v53;
	v58 =	vld [tilespmem:s11+$0x8170];
	v21 =	vadd.f32 v27, v21;
	v20 =	vadd.f32 v28, v20  }
0x90: {  	v27 =	vmul.f32 v47, v47;
	v28 =	vmul.f32 v48, v48;
	v24 =	vsub.f32 v63, v45  }
0x91: {  	v59 =	vmul.f32 v55, v55;
	v25 =	vsub.f32 v46, v49;
	v26 =	vsub.f32 v44, v26  }
0x92: {  	v62 =	vmul.f32 v61, v61;
	v23 =	vadd.f32 v27, v23;
	v22 =	vadd.f32 v28, v22  }
0x93: {  	p2 =	por p1, p1;
	v21 =	vadd.f32 v33, v21;
	v20 =	vadd.f32 v34, v20;
	v27 =	vmul.f32 v60, v60  }
.Ltmp0:
0x94: {  	v24 =	vmul.f32 v24, v24;
	v26 =	vmul.f32 v26, v26;
	v28 =	vsub.f32 v56, v58;
	(pc) =	sbr.rel @p2 .LBB2_5-.Ltmp0, $4  }
0x95: {  	v25 =	vmul.f32 v25, v25;
	v23 =	vadd.f32 v57, v23;
	v22 =	vadd.f32 v59, v22  }
0x96: {  	v20 =	vadd.f32 v27, v20;
	v21 =	vadd.f32 v26, v21;
	v63 =	vmul.f32 v28, v28  }
0x97: {  	v23 =	vadd.f32 v24, v23;
	v22 =	vadd.f32 v25, v22  }
0x98: {  	p1 =	por $0x0, $0x0;
	s11 =	simm.s32 $0x800;
	v21 =	vadd.f32 v62, v21;
	v20 =	vadd.f32 v63, v20  }
0x99: {  	s5 =	sshll.u32 s6, $0x4;
	s6 =	sadd.s32 $0x1, s6  }
0x9a: {  	p1 =	sne.s32 s6, $0x10  }
.Ltmp1:
0x9b: {  	v22 =	vadd.f32 v22, v23;
	v20 =	vadd.f32 v20, v21;
	(pc) =	sbr.rel @p1 .LBB2_4-.Ltmp1, $4  }
0x9c: {  	_ = 	snop  }
0x9d: {  	v20 =	vadd.f32 v20, v22  }
0x9e: {  	s5 =	sand.u32 $0x3FFFFFF0, s5  }
0x9f: {  	[tilespmem:s5+$0x10100] =	vst v20  }
0xa0: {  	_ =	sdelay $0x3  }
0xa1: {  	v20 =	vld.idx.msk [tilespmem:v1+s16+$0x0], $0xffff  }
0xa2: {  	v21 =	vld.idx.msk [tilespmem:v4+s16+$0x0], $0xffff;
	_ =	sdelay $0x1  }
0xa3: {  	v22 =	vld.idx.msk [tilespmem:v5+s16+$0x0], $0xffff;
	_ =	sdelay $0x1  }
0xa4: {  	v23 =	vld.idx.msk [tilespmem:v6+s16+$0x0], $0xffff  }
0xa5: {  	v20 =	vadd.f32 v21, v20  }
0xa6: {  	v52 =	vld.idx.msk [tilespmem:v7+s16+$0x0], $0xffff  }
0xa7: {  	v20 =	vadd.f32 v22, v20  }
0xa8: {  	v53 =	vld.idx.msk [tilespmem:v8+s16+$0x0], $0xffff  }
0xa9: {  	v20 =	vadd.f32 v23, v20  }
0xaa: {  	v54 =	vld.idx.msk [tilespmem:v9+s16+$0x0], $0xffff  }
0xab: {  	v20 =	vadd.f32 v52, v20  }
0xac: {  	v55 =	vld.idx.msk [tilespmem:v10+s16+$0x0], $0xffff  }
0xad: {  	v20 =	vadd.f32 v53, v20  }
0xae: {  	v56 =	vld.idx.msk [tilespmem:v11+s16+$0x0], $0xffff  }
0xaf: {  	v20 =	vadd.f32 v54, v20  }
0xb0: {  	v57 =	vld.idx.msk [tilespmem:v12+s16+$0x0], $0xffff  }
0xb1: {  	v20 =	vadd.f32 v55, v20  }
0xb2: {  	v58 =	vld.idx.msk [tilespmem:v13+s16+$0x0], $0xffff  }
0xb3: {  	v20 =	vadd.f32 v56, v20  }
0xb4: {  	v59 =	vld.idx.msk [tilespmem:v14+s16+$0x0], $0xffff  }
0xb5: {  	v20 =	vadd.f32 v57, v20  }
0xb6: {  	v60 =	vld.idx.msk [tilespmem:v15+s16+$0x0], $0xffff  }
0xb7: {  	v20 =	vadd.f32 v58, v20  }
0xb8: {  	v61 =	vld.idx.msk [tilespmem:v16+s16+$0x0], $0xffff  }
0xb9: {  	v20 =	vadd.f32 v59, v20  }
0xba: {  	v62 =	vld.idx.msk [tilespmem:v17+s16+$0x0], $0xffff  }
0xbb: {  	v20 =	vadd.f32 v60, v20  }
0xbc: {  	v63 =	vld.idx.msk [tilespmem:v18+s16+$0x0], $0xffff  }
0xbd: {  	v20 =	vadd.f32 v61, v20;
	_ =	sdelay $0x1  }
0xbe: {  	v20 =	vadd.f32 v62, v20;
	_ =	sdelay $0x1  }
.Ltmp2:
0xbf: {  	v20 =	vadd.f32 v63, v20;
	(pc) =	sbr.rel @p0 .LBB2_3-.Ltmp2, $4  }
0xc0: {  	_ = 	snop  }
0xc1: {  	v20 =	vmax.f32 v20, $9.999999960e-13  }
0xc2: {  	v20 =	vmin.f32 v20, $9.999999950e+11  }
0xc3: {  	s19 =	simm.s32 $0x2000;
	p1 =	por $0x0, $0x0;
	v19 =	vadd.f32 v20, v19  }
0xc4: {  	p0 =	seq.s32 s21, $0x7  }
0xc5: {  	s5 =	sadd.s32 @!p0 s22, s9  }
0xc6: {  	s7 =	simm.s32 @!p0 $0x0;
	s6 =	sshll.u32 @!p0 s5, $0x6  }
0xc7: {  	s10 =	simm.s32 @!p0 $0x100;
	s5 =	sshrl.u32 @!p0 s5, $0x3;
	s6 =	sadd.s32 @!p0 s1, s6  }
0xc8: {  	[tilespmem:s10], [sflag:$0x1] =	stream.linear.gather @!p0 [hbm4b:s6+s7], $0x4000, $0x38;
	[tilespmem:$0x10280] =	vst v63  }
0xc9: {  	s5 =	sadd.s32 @!p0 s2, s5  }
0xca: {  	[tilespmem:s7], [sflag:$0x5] =	stream.linear.gather @!p0 [hbm4b:s5+s7], $0x20, $0x38;
	[tilespmem:$0x10280] =	vst v63  }
0xcb: {  	s5 =	simm.s32 @!p0 $0x5  }
0xcc: {  	_ =	swait.ge @!p0 [sflag:s5], $0x20  }
0xcd: {  	[sflag:s5] =	ssyncset.done @!p0 $0x0  }
0xce: {  	[sflag:s5] =	ssyncadd.s32 @!p0 $0xFFFFFFE0  }
0xcf: {  	v20 =	vld @!p0 [tilespmem:$0x0];
	_ =	sdelay $0x4  }
0xd0: {  	v21 =	vshll.u32 @!p0 v20, $0x2  }
0xd1: {  	v22 =	vlaneseq.u32 @!p0;
	v20 =	vand.u32 @!p0 $0x7, v20;
	v21 =	vand.u32 @!p0 $0xFFFFFFE0, v21  }
0xd2: {  	v23 =	vshrl.u32 @!p0 v22, $0x3;
	v20 =	vor.u32 @!p0 v20, v21;
	v21 =	vand.u32 @!p0 $0x7, v22  }
0xd3: {  	v23 =	vmul.u32 @!p0 $0x8, v23;
	v24 =	vperm.xlane @!p0 v20, v21;
	_ =	sdelay $0x1  }
0xd4: {  	v24 =	vadd.s32 @!p0 v23, v24  }
0xd5: {  	v22 =	vor.u32 @!p0 $0x8, v22  }
0xd6: {  	v20 =	vperm.xlane @!p0 v20, v22;
	_ =	sdelay $0x1  }
0xd7: {  	vm1 =	vmmov @!p0 $0xffff;
	s5 =	simm.s32 @!p0 $0x8100;
	v20 =	vadd.s32 @!p0 v23, v20  }
0xd8: {  	[tilespmem:s5], [sflag:$0x3] =	stream.indirect_vreg.gather @!p0 [hbm4b:s3+s7], $0x80, v24, vm1, $0xb8;
	[tilespmem:$0x10280] =	vst v63  }
0xd9: {  	s5 =	simm.s32 @!p0 $0x8900  }
0xda: {  	[tilespmem:s5], [sflag:$0x3] =	stream.indirect_vreg.gather @!p0 [hbm4b:s8+s7], $0x80, v24, vm1, $0xb8;
	[tilespmem:$0x10280] =	vst v63  }
0xdb: {  	s5 =	simm.s32 @!p0 $0x9100  }
0xdc: {  	[tilespmem:s5], [sflag:$0x3] =	stream.indirect_vreg.gather @!p0 [hbm4b:s3+s7], $0x80, v20, vm1, $0xb8;
	[tilespmem:$0x10280] =	vst v63  }
0xdd: {  	s5 =	simm.s32 @!p0 $0x9900  }
0xde: {  	[tilespmem:s5], [sflag:$0x3] =	stream.indirect_vreg.gather @!p0 [hbm4b:s8+s7], $0x80, v20, vm1, $0xb8;
	[tilespmem:$0x10280] =	vst v63  }
0xdf: {  	v20 =	vld @!p0 [tilespmem:$0x10];
	_ =	sdelay $0x4  }
0xe0: {  	v24 =	vshll.u32 @!p0 v20, $0x2  }
0xe1: {  	v20 =	vand.u32 @!p0 $0x7, v20;
	v24 =	vand.u32 @!p0 $0xFFFFFFE0, v24  }
0xe2: {  	v20 =	vor.u32 @!p0 v20, v24  }
0xe3: {  	v21 =	vperm.xlane @!p0 v20, v21;
	_ =	sdelay $0x1  }
0xe4: {  	v21 =	vadd.s32 @!p0 v23, v21;
	_ =	sdelay $0x1  }
0xe5: {  	v20 =	vperm.xlane @!p0 v20, v22;
	_ =	sdelay $0x1  }
0xe6: {  	s5 =	simm.s32 @!p0 $0xA100;
	v20 =	vadd.s32 @!p0 v23, v20  }
0xe7: {  	[tilespmem:s5], [sflag:$0x3] =	stream.indirect_vreg.gather @!p0 [hbm4b:s3+s7], $0x80, v21, vm1, $0xb8;
	[tilespmem:$0x10280] =	vst v63  }
0xe8: {  	s5 =	simm.s32 @!p0 $0xA900  }
0xe9: {  	[tilespmem:s5], [sflag:$0x3] =	stream.indirect_vreg.gather @!p0 [hbm4b:s8+s7], $0x80, v21, vm1, $0xb8;
	[tilespmem:$0x10280] =	vst v63  }
0xea: {  	s5 =	simm.s32 @!p0 $0xB100  }
0xeb: {  	[tilespmem:s5], [sflag:$0x3] =	stream.indirect_vreg.gather @!p0 [hbm4b:s3+s7], $0x80, v20, vm1, $0xb8;
	[tilespmem:$0x10280] =	vst v63  }
0xec: {  	s5 =	simm.s32 @!p0 $0xB900  }
0xed: {  	[tilespmem:s5], [sflag:$0x3] =	stream.indirect_vreg.gather @!p0 [hbm4b:s8+s7], $0x80, v20, vm1, $0xb8;
	[tilespmem:$0x10280] =	vst v63  }
0xee: {  	_ =	swait.ge [sflag:s17], $0x4000  }
0xef: {  	[sflag:s17] =	ssyncset.done $0x0  }
0xf0: {  	[sflag:s17] =	ssyncadd.s32 $0xFFFFC000  }
0xf1: {  	_ =	swait.ge [sflag:s18], $0x4000  }
0xf2: {  	[sflag:s18] =	ssyncset.done $0x0  }
0xf3: {  	s19 =	simm.s32 $0x0;
	p1 =	por $0x1, $0x1;
	[sflag:s18] =	ssyncadd.s32 $0xFFFFC000  }
.LBB2_9:
0xf4: {  	p0 =	por p1, p1;
	s6 =	simm.s32 $0x0  }
.LBB2_10:
0xf5: {  	s5 =	sshll.u32 s6, $0x9  }
0xf6: {  	s7 =	sshll.u32 s6, $0x7;
	s5 =	sand.u32 $0x1000, s5  }
0xf7: {  	s7 =	sand.u32 $0x380, s7;
	s5 =	sor.u32 s19, s5  }
0xf8: {  	v20 =	vimm.f32 $0.0e+00;
	s7 =	sor.u32 s5, s7  }
0xf9: {  	s11 =	simm.s32 $0x0;
	p1 =	por $0x1, $0x1;
	v21 =	vimm.f32 $0.0e+00;
	v22 =	vimm.f32 $0.0e+00;
	v23 =	vimm.f32 $0.0e+00;
	s10 =	sor.u32 $0x400, s7  }
.LBB2_11:
0xfa: {  	s5 =	sor.u32 s7, s11  }
0xfb: {  	v24 =	vld [tilespmem:s5+$0x4100]  }
0xfc: {  	v25 =	vld [tilespmem:s5+$0xC100]  }
0xfd: {  	v26 =	vld [tilespmem:s5+$0x4110]  }
0xfe: {  	v27 =	vld [tilespmem:s5+$0xC110]  }
0xff: {  	v28 =	vld [tilespmem:s5+$0x4120]  }
0x100: {  	v29 =	vld [tilespmem:s5+$0xC120]  }
0x101: {  	v30 =	vld [tilespmem:s5+$0x4130]  }
0x102: {  	v31 =	vld [tilespmem:s5+$0xC130]  }
0x103: {  	v32 =	vld [tilespmem:s5+$0x4140]  }
0x104: {  	v33 =	vld [tilespmem:s5+$0xC140]  }
0x105: {  	v34 =	vld [tilespmem:s5+$0x4150]  }
0x106: {  	v35 =	vld [tilespmem:s5+$0xC150]  }
0x107: {  	v36 =	vld [tilespmem:s5+$0x4160]  }
0x108: {  	v37 =	vld [tilespmem:s5+$0xC160]  }
0x109: {  	v38 =	vld [tilespmem:s5+$0x4170]  }
0x10a: {  	s22 =	sor.u32 s10, s11;
	v39 =	vld [tilespmem:s5+$0xC170]  }
0x10b: {  	v40 =	vld [tilespmem:s22+$0x4100]  }
0x10c: {  	v41 =	vld [tilespmem:s22+$0xC100]  }
0x10d: {  	v42 =	vld [tilespmem:s22+$0x4110]  }
0x10e: {  	v43 =	vld [tilespmem:s22+$0xC110]  }
0x10f: {  	v44 =	vld [tilespmem:s22+$0x4120]  }
0x110: {  	v61 =	vld [tilespmem:s22+$0x4130]  }
0x111: {  	v62 =	vld [tilespmem:s22+$0xC130]  }
0x112: {  	v63 =	vld [tilespmem:s22+$0x4140]  }
0x113: {  	v52 =	vld [tilespmem:s22+$0x4160];
	v24 =	vsub.f32 v24, v25;
	v58 =	vsub.f32 v26, v27  }
0x114: {  	v54 =	vld [tilespmem:s22+$0xC160];
	v59 =	vsub.f32 v28, v29;
	v60 =	vsub.f32 v30, v31  }
0x115: {  	v45 =	vld [tilespmem:s22+$0xC140];
	v47 =	vsub.f32 v32, v33;
	v48 =	vsub.f32 v34, v35  }
0x116: {  	v46 =	vld [tilespmem:s22+$0x4150];
	v50 =	vsub.f32 v36, v37;
	v51 =	vsub.f32 v38, v39  }
0x117: {  	v49 =	vld [tilespmem:s22+$0xC150];
	v53 =	vsub.f32 v40, v41;
	v24 =	vmul.f32 v24, v24;
	v25 =	vmul.f32 v58, v58  }
0x118: {  	v26 =	vld [tilespmem:s22+$0xC120];
	v55 =	vsub.f32 v42, v43;
	v27 =	vmul.f32 v59, v59;
	v28 =	vmul.f32 v60, v60  }
0x119: {  	v33 =	vmul.f32 v50, v50;
	v60 =	vsub.f32 v61, v62;
	v61 =	vsub.f32 v52, v54  }
0x11a: {  	v56 =	vld [tilespmem:s22+$0x4170];
	v34 =	vmul.f32 v51, v51;
	v23 =	vadd.f32 v24, v23;
	v22 =	vadd.f32 v25, v22  }
0x11b: {  	v57 =	vmul.f32 v53, v53;
	v58 =	vld [tilespmem:s22+$0xC170];
	v21 =	vadd.f32 v27, v21;
	v20 =	vadd.f32 v28, v20  }
0x11c: {  	v27 =	vmul.f32 v47, v47;
	v28 =	vmul.f32 v48, v48;
	v24 =	vsub.f32 v63, v45  }
0x11d: {  	v59 =	vmul.f32 v55, v55;
	v25 =	vsub.f32 v46, v49;
	v26 =	vsub.f32 v44, v26  }
0x11e: {  	v62 =	vmul.f32 v61, v61;
	v23 =	vadd.f32 v27, v23;
	v22 =	vadd.f32 v28, v22  }
0x11f: {  	p2 =	por p1, p1;
	v21 =	vadd.f32 v33, v21;
	v20 =	vadd.f32 v34, v20;
	v27 =	vmul.f32 v60, v60  }
.Ltmp3:
0x120: {  	v24 =	vmul.f32 v24, v24;
	v26 =	vmul.f32 v26, v26;
	v28 =	vsub.f32 v56, v58;
	(pc) =	sbr.rel @p2 .LBB2_11-.Ltmp3, $4  }
0x121: {  	v25 =	vmul.f32 v25, v25;
	v23 =	vadd.f32 v57, v23;
	v22 =	vadd.f32 v59, v22  }
0x122: {  	v20 =	vadd.f32 v27, v20;
	v21 =	vadd.f32 v26, v21;
	v63 =	vmul.f32 v28, v28  }
0x123: {  	v23 =	vadd.f32 v24, v23;
	v22 =	vadd.f32 v25, v22  }
0x124: {  	s11 =	simm.s32 $0x800;
	p1 =	por $0x0, $0x0;
	v21 =	vadd.f32 v62, v21;
	v20 =	vadd.f32 v63, v20  }
0x125: {  	s5 =	sshll.u32 s6, $0x4;
	s6 =	sadd.s32 $0x1, s6  }
0x126: {  	p1 =	sne.s32 s6, $0x10  }
.Ltmp4:
0x127: {  	v22 =	vadd.f32 v22, v23;
	v20 =	vadd.f32 v20, v21;
	(pc) =	sbr.rel @p1 .LBB2_10-.Ltmp4, $4  }
0x128: {  	_ = 	snop  }
0x129: {  	v20 =	vadd.f32 v20, v22  }
0x12a: {  	s5 =	sand.u32 $0x3FFFFFF0, s5  }
0x12b: {  	[tilespmem:s5+$0x10100] =	vst v20  }
0x12c: {  	_ =	sdelay $0x3  }
0x12d: {  	v20 =	vld.idx.msk [tilespmem:v1+s16+$0x0], $0xffff  }
0x12e: {  	v21 =	vld.idx.msk [tilespmem:v4+s16+$0x0], $0xffff;
	_ =	sdelay $0x1  }
0x12f: {  	v22 =	vld.idx.msk [tilespmem:v5+s16+$0x0], $0xffff;
	_ =	sdelay $0x1  }
0x130: {  	v23 =	vld.idx.msk [tilespmem:v6+s16+$0x0], $0xffff  }
0x131: {  	v20 =	vadd.f32 v21, v20  }
0x132: {  	v52 =	vld.idx.msk [tilespmem:v7+s16+$0x0], $0xffff  }
0x133: {  	v20 =	vadd.f32 v22, v20  }
0x134: {  	v53 =	vld.idx.msk [tilespmem:v8+s16+$0x0], $0xffff  }
0x135: {  	v20 =	vadd.f32 v23, v20  }
0x136: {  	v54 =	vld.idx.msk [tilespmem:v9+s16+$0x0], $0xffff  }
0x137: {  	v20 =	vadd.f32 v52, v20  }
0x138: {  	v55 =	vld.idx.msk [tilespmem:v10+s16+$0x0], $0xffff  }
0x139: {  	v20 =	vadd.f32 v53, v20  }
0x13a: {  	v56 =	vld.idx.msk [tilespmem:v11+s16+$0x0], $0xffff  }
0x13b: {  	v20 =	vadd.f32 v54, v20  }
0x13c: {  	v57 =	vld.idx.msk [tilespmem:v12+s16+$0x0], $0xffff  }
0x13d: {  	v20 =	vadd.f32 v55, v20  }
0x13e: {  	v58 =	vld.idx.msk [tilespmem:v13+s16+$0x0], $0xffff  }
0x13f: {  	v20 =	vadd.f32 v56, v20  }
0x140: {  	v59 =	vld.idx.msk [tilespmem:v14+s16+$0x0], $0xffff  }
0x141: {  	v20 =	vadd.f32 v57, v20  }
0x142: {  	v60 =	vld.idx.msk [tilespmem:v15+s16+$0x0], $0xffff  }
0x143: {  	v20 =	vadd.f32 v58, v20  }
0x144: {  	v61 =	vld.idx.msk [tilespmem:v16+s16+$0x0], $0xffff  }
0x145: {  	v20 =	vadd.f32 v59, v20  }
0x146: {  	v62 =	vld.idx.msk [tilespmem:v17+s16+$0x0], $0xffff  }
0x147: {  	v20 =	vadd.f32 v60, v20  }
0x148: {  	v63 =	vld.idx.msk [tilespmem:v18+s16+$0x0], $0xffff  }
0x149: {  	v20 =	vadd.f32 v61, v20;
	_ =	sdelay $0x1  }
0x14a: {  	v20 =	vadd.f32 v62, v20;
	_ =	sdelay $0x1  }
.Ltmp5:
0x14b: {  	v20 =	vadd.f32 v63, v20;
	(pc) =	sbr.rel @p0 .LBB2_9-.Ltmp5, $4  }
0x14c: {  	_ = 	snop  }
0x14d: {  	v20 =	vmax.f32 v20, $9.999999960e-13  }
0x14e: {  	v20 =	vmin.f32 v20, $9.999999950e+11  }
0x14f: {  	s19 =	simm.s32 $0x2000;
	p1 =	por $0x0, $0x0;
	v19 =	vadd.f32 v20, v19  }
0x150: {  	s21 =	sadd.s32 $0x1, s21  }
0x151: {  	p0 =	sne.s32 s21, $0x8  }
.Ltmp6:
0x152: {  	_ = 	snop;
	(pc) =	sbr.rel @p0 .LBB2_2-.Ltmp6, $1  }
0x153: {  	_ =	sdelay $0x3  }
0x154: {  	[tilespmem:$0x10200] =	vst v19;
	s10 =	simm.s32 $0x0;
	s5 =	rddreg [dreg:$0x7];
	s6 =	simm.s32 $0x10200  }
0x155: {  	[hbm4b:s5+s10] =	stream.linear.scatter [tilespmem:s6], [sflag:$0x5], $0x80, $0x38;
	[tilespmem:$0x10280] =	vst v63  }
0x156: {  	_ =	swait.ge [sflag:s14], $0x80  }
0x157: {  	s20 =	sadd.s32 $0x1, s20;
	s22 =	rddreg [dreg:$0x8]  }
0x158: {  	p0 =	sne.s32 s20, s22  }
.Ltmp7:
0x159: {  	_ = 	snop;
	(pc) =	sbr.rel @p0 .LBB2_1-.Ltmp7, $3  }
0x15a: {  	_ =	sdelay $0x1  }
0x15b: {  	[sflag:s14] =	ssyncset.done $0x0  }
0x15c: {  	[sflag:s14] =	ssyncadd.s32 $0xFFFFFF80  }
0x15d: {  	_ =	sfence.sel $0x180000  }
0x15e: {  	[bflag:$0x0] =	sbarrier.arrive $0xFFFF  }
0x15f: {  	_ =	strace $0x90000047  }
0x160: {  	s0 =	stileid.u32;
	[bflag:$0x2] =	sbarrier.arrive $0xFFFF  }
0x161: {  	p0 =	sne.s32 s0, $0x0;
	s0 =	rddreg [dreg:$0x4]  }
0x162: {  	s0 =	sadd.s32 @!p0 $0x100000, s0  }
0x163: {  	[sflag:s0] =	ssyncadd.tile.s32 @!p0 $0x1;
	_ =	shalt  }
.Lfunc_end2:
_tile_overlayer_lowered:
.L_overlay_start_2:
0x164: {  	(tag) =	ssettag $0x2  }
0x165: {  	s0 =	rddreg [dreg:$0x0];
	s2 =	stileid.u32  }
0x166: {  	s1 =	rddreg [dreg:$0x1];
	p0 =	sne.s32 s2, $0x0  }
0x167: {  	s3 =	rddreg [dreg:$0x2];
	[bflag:$0x3] =	sbarrier.arrive $0xFFFF;
	s2 =	simm.s32 @!p0 $0x1C05  }
0x168: {  	[timem:s3], [sflag:s2] =	dma.local @!p0 [hbm:s0], s1  }
0x169: {  	s0 =	simm.s32 @!p0 $0x5  }
0x16a: {  	_ =	swait.ge @!p0 [sflag:s0], s1  }
0x16b: {  	s1 =	ssub.s32 @!p0 $0x0, s1;
	[sflag:s0] =	ssyncset.done @!p0 $0x0  }
0x16c: {  	[sflag:s0] =	ssyncadd.s32 @!p0 s1  }
0x16d: {  	[bflag:$0x3] =	sbarrier.arrive $0xFFFF  }
0x16e: {  	_ =	shalt  }

</sc_bundles>
